<compile_context>
chip_gen: v7x
topology: tpu7x:2x2x1
jax: 0.10.2.dev20260603
libtpu: 0.0.44.dev20260713+nightly
codegen_flags: <defaults>
</compile_context>

<pallas_src>
import jax
import jax.numpy as jnp
from jax import lax
from jax.experimental import pallas as pl
from jax.experimental.pallas import tpu as pltpu
from jax.experimental.pallas import tpu_sc as plsc

NC = 2
NS = 16
NW = NC * NS
L = 16

B, P, CHN = 128, 20000, 2

P_SC = 12000
P_TC = P - P_SC
POS_W = P_SC // NW
CHUNK_P = 25
NCHUNK = POS_W // CHUNK_P
MSK_C = CHUNK_P * B
VAL_C = CHUNK_P * B * CHN

PB = 400
NTCB = P_TC // PB
TCOFF = P_SC // PB


def _partial_body(regr_hbm, gt_hbm, mask_hbm, part_hbm,
                  mk0, mk1, rr0, rr1, gg0, gg1, stage_v,
                  sm0, sm1, sr0, sr1, sg0, sg1):
    cid = lax.axis_index("c")
    sid = lax.axis_index("s")
    wid = cid * NS + sid

    mbase = wid * POS_W * B
    fbase = wid * POS_W * B * CHN

    mk = (mk0, mk1)
    rr = (rr0, rr1)
    gg = (gg0, gg1)
    sems = ((sm0, sr0, sg0), (sm1, sr1, sg1))

    def start(s, c):
        sm, sr, sg = sems[s]
        pltpu.async_copy(mask_hbm.at[pl.ds(mbase + c * MSK_C, MSK_C)], mk[s], sm)
        pltpu.async_copy(regr_hbm.at[pl.ds(fbase + c * VAL_C, VAL_C)], rr[s], sr)
        pltpu.async_copy(gt_hbm.at[pl.ds(fbase + c * VAL_C, VAL_C)], gg[s], sg)

    def wait(s):
        sm, sr, sg = sems[s]
        pltpu.make_async_copy(mask_hbm.at[pl.ds(0, MSK_C)], mk[s], sm).wait()
        pltpu.make_async_copy(regr_hbm.at[pl.ds(0, VAL_C)], rr[s], sr).wait()
        pltpu.make_async_copy(gt_hbm.at[pl.ds(0, VAL_C)], gg[s], sg).wait()

    def process(s, c, acc, cnt):
        wait(s)
        mk_s, rr_s, gg_s = mk[s], rr[s], gg[s]

        def pstep(p, carry, mk_s=mk_s, rr_s=rr_s, gg_s=gg_s):
            acc2, cnt2 = carry
            mo = p * B
            fo = p * B * CHN
            for j in range(B // L):
                m = mk_s[pl.ds(mo + j * L, L)].astype(jnp.float32)
                r0 = rr_s[pl.ds(fo + j * L, L)]
                g0 = gg_s[pl.ds(fo + j * L, L)]
                r1 = rr_s[pl.ds(fo + B + j * L, L)]
                g1 = gg_s[pl.ds(fo + B + j * L, L)]
                acc2 = acc2 + (jnp.abs(r0 - g0) + jnp.abs(r1 - g1)) * m
                cnt2 = cnt2 + m
            return acc2, cnt2

        acc, cnt = lax.fori_loop(0, CHUNK_P, pstep, (acc, cnt))

        @pl.when(c + 2 < NCHUNK)
        def _():
            start(s, c + 2)
        return acc, cnt

    zero = jnp.zeros((L,), jnp.float32)
    start(0, 0)
    start(1, 1)

    def pair_body(c2, carry):
        acc, cnt = carry
        acc, cnt = process(0, c2 * 2, acc, cnt)
        acc, cnt = process(1, c2 * 2 + 1, acc, cnt)
        return acc, cnt

    acc, cnt = lax.fori_loop(0, NCHUNK // 2, pair_body, (zero, zero))
    if NCHUNK % 2:
        acc, cnt = process(0, NCHUNK - 1, acc, cnt)

    stage_v[pl.ds(0, L)] = acc
    stage_v[pl.ds(L, L)] = cnt
    pltpu.sync_copy(stage_v, part_hbm.at[wid])


def _tc_body(regr_ref, gt_ref, mask_ref, loss_ref, cnt_ref):
    i = pl.program_id(0)
    m = mask_ref[...].astype(jnp.float32)
    d = jnp.abs(regr_ref[...] - gt_ref[...])
    me = jnp.broadcast_to(m[:, None, :], (PB, 2, B)).reshape(2 * PB, B)
    bl = jnp.sum(d * me, axis=0, keepdims=True)
    bc = jnp.sum(m, axis=0, keepdims=True)

    @pl.when(i == 0)
    def _():
        loss_ref[...] = jnp.zeros((1, B), jnp.float32)
        cnt_ref[...] = jnp.zeros((1, B), jnp.float32)

    loss_ref[...] += bl
    cnt_ref[...] += bc


def _combine_body(part_ref, tcl_ref, tcc_ref, out_ref):
    s_loss = jnp.sum(part_ref[:, :L]) + jnp.sum(tcl_ref[...])
    s_cnt = jnp.sum(part_ref[:, L:]) + jnp.sum(tcc_ref[...])
    num = s_cnt * 2.0
    out_ref[...] = jnp.full((1, L), s_loss / (num + 1e-4), jnp.float32)


@jax.jit
def _masked_l1(regr, gt_regr, mask):
    regr_f = jnp.transpose(regr, (1, 2, 0)).reshape(-1)
    gt_f = jnp.transpose(gt_regr, (1, 2, 0)).reshape(-1)
    mask_f = jnp.transpose(mask, (1, 0)).reshape(-1)
    regr_2 = regr_f.reshape(P * CHN, B)
    gt_2 = gt_f.reshape(P * CHN, B)
    mask_2 = mask_f.reshape(P, B)

    mesh = plsc.VectorSubcoreMesh(core_axis_name="c", subcore_axis_name="s")
    partials = pl.kernel(
        _partial_body,
        out_type=jax.ShapeDtypeStruct((NW, 2 * L), jnp.float32),
        mesh=mesh,
        compiler_params=pltpu.CompilerParams(needs_layout_passes=False),
        scratch_types=[
            pltpu.VMEM((MSK_C,), jnp.int32),
            pltpu.VMEM((MSK_C,), jnp.int32),
            pltpu.VMEM((VAL_C,), jnp.float32),
            pltpu.VMEM((VAL_C,), jnp.float32),
            pltpu.VMEM((VAL_C,), jnp.float32),
            pltpu.VMEM((VAL_C,), jnp.float32),
            pltpu.VMEM((2 * L,), jnp.float32),
            pltpu.SemaphoreType.DMA,
            pltpu.SemaphoreType.DMA,
            pltpu.SemaphoreType.DMA,
            pltpu.SemaphoreType.DMA,
            pltpu.SemaphoreType.DMA,
            pltpu.SemaphoreType.DMA,
        ],
    )(regr_f, gt_f, mask_f)

    tc_loss, tc_cnt = pl.pallas_call(
        _tc_body,
        grid=(NTCB,),
        in_specs=[
            pl.BlockSpec((2 * PB, B), lambda i: (TCOFF + i, 0)),
            pl.BlockSpec((2 * PB, B), lambda i: (TCOFF + i, 0)),
            pl.BlockSpec((PB, B), lambda i: (TCOFF + i, 0)),
        ],
        out_specs=[
            pl.BlockSpec((1, B), lambda i: (0, 0)),
            pl.BlockSpec((1, B), lambda i: (0, 0)),
        ],
        out_shape=[
            jax.ShapeDtypeStruct((1, B), jnp.float32),
            jax.ShapeDtypeStruct((1, B), jnp.float32),
        ],
    )(regr_2, gt_2, mask_2)

    out = pl.pallas_call(
        _combine_body,
        out_shape=jax.ShapeDtypeStruct((1, L), jnp.float32),
    )(partials, tc_loss, tc_cnt)
    return out


def kernel(regr, gt_regr, mask):
    out = _masked_l1(regr, gt_regr, mask)
    return out[0, 0]

# --- scband reference (transcript-rebuilt; emitter-appended) ---
"""Pipeline reference for scband-reg-l1-loss-31696858644926 (READ-ONLY COPY).

The authoritative reference and input builder live on the scoring server;
editing this copy changes nothing except your own understanding.
"""

import jax, jax.numpy as jnp
import numpy as np


def setup_inputs(seed: int = 0) -> dict:
    key = jax.random.key(seed)
    k1, k2, k3 = jax.random.split(key, 3)
    regr = jax.random.normal(k1, (128, 20000, 2), dtype=jnp.float32)
    gt_regr = jax.random.normal(k2, (128, 20000, 2), dtype=jnp.float32)
    mask = jax.random.randint(k3, (128, 20000), 0, 2, dtype=jnp.int32)
    return {"regr": regr, "gt_regr": gt_regr, "mask": mask}


def reference(regr, gt_regr, mask):
    # num = mask.float().sum() * 2  (each masked position selects 2 regression channels)
    num = jnp.sum(mask.astype(jnp.float32)) * 2.0
    # regr[mask == 1], gt_regr[mask == 1] with boolean mask over leading dims,
    # followed by F.l1_loss(..., reduction='sum') is equivalent (in value) to
    # summing |regr - gt_regr| over positions where mask == 1.
    m = (mask == 1).astype(regr.dtype)[..., None]
    regr_loss = jnp.sum(jnp.abs(regr - gt_regr) * m)
    regr_loss = regr_loss / (num + 0.0001)
    return regr_loss

if __name__ == "__main__":
    import jax
    _d = setup_inputs()
    print(jax.jit(kernel)(*tuple(_d.values())))

</pallas_src>

<mosaic_0001>
#map = affine_map<(d0, d1) -> (0)>
#map1 = affine_map<(d0, d1) -> (0, 0)>
module attributes {stable_mosaic.version = 14 : i64} {
  func.func @_partial_body(%arg0: i32, %arg1: i32, %arg2: memref<5120000xf32, #tpu.memory_space<hbm>>, %arg3: memref<5120000xf32, #tpu.memory_space<hbm>>, %arg4: memref<2560000xi32, #tpu.memory_space<hbm>>, %arg5: memref<32x32xf32, #tpu.memory_space<hbm>>, %arg6: memref<3200xi32, #tpu.memory_space<vmem>>, %arg7: memref<3200xi32, #tpu.memory_space<vmem>>, %arg8: memref<6400xf32, #tpu.memory_space<vmem>>, %arg9: memref<6400xf32, #tpu.memory_space<vmem>>, %arg10: memref<6400xf32, #tpu.memory_space<vmem>>, %arg11: memref<6400xf32, #tpu.memory_space<vmem>>, %arg12: memref<32xf32, #tpu.memory_space<vmem>>, %arg13: memref<!tpu.dma_semaphore, #tpu.memory_space<semaphore_mem>>, %arg14: memref<!tpu.dma_semaphore, #tpu.memory_space<semaphore_mem>>, %arg15: memref<!tpu.dma_semaphore, #tpu.memory_space<semaphore_mem>>, %arg16: memref<!tpu.dma_semaphore, #tpu.memory_space<semaphore_mem>>, %arg17: memref<!tpu.dma_semaphore, #tpu.memory_space<semaphore_mem>>, %arg18: memref<!tpu.dma_semaphore, #tpu.memory_space<semaphore_mem>>) attributes {dimension_semantics = [#tpu.dimension_semantics<core_parallel>, #tpu.dimension_semantics<subcore_parallel>], iteration_bounds = array<i64: 2, 16>, scalar_prefetch = 0 : i64, scratch_operands = 13 : i64, tpu.core_type = #tpu.core_type<sc_vector_subcore>, window_params = [{transform_indices = #map}, {transform_indices = #map}, {transform_indices = #map}, {transform_indices = #map1}]} {
    %mul3A = arith.constant 16 : i32
    %mul3A_0 = arith.muli %arg0, %mul3A : i32
    %add3A = arith.addi %mul3A_0, %arg1 : i32
    %mul3A_1 = arith.constant 375 : i32
    %mul3A_2 = arith.muli %add3A, %mul3A_1 : i32
    %mul3A_3 = arith.constant 128 : i32
    %mul3A_4 = arith.muli %mul3A_2, %mul3A_3 : i32
    %mul3A_5 = arith.constant 375 : i32
    %mul3A_6 = arith.muli %add3A, %mul3A_5 : i32
    %mul3A_7 = arith.constant 128 : i32
    %mul3A_8 = arith.muli %mul3A_6, %mul3A_7 : i32
    %mul3A_9 = arith.constant 2 : i32
    %mul3A_10 = arith.muli %mul3A_8, %mul3A_9 : i32
    %broadcast_in_dim3A = arith.constant 0.000000e+00 : f32
    %broadcast_in_dim3A_11 = vector.broadcast %broadcast_in_dim3A : f32 to vector<16xf32>
    %add3A_12 = arith.constant 0 : i32
    %add3A_13 = arith.addi %mul3A_4, %add3A_12 : i32
    %dma_start3A = tpu.memref_slice %arg4[%add3A_13] : memref<2560000xi32, #tpu.memory_space<hbm>> -> memref<3200xi32, #tpu.memory_space<hbm>>
    %dma_start3A_14 = tpu.memref_slice %arg4[%add3A_13] : memref<2560000xi32, #tpu.memory_space<hbm>> -> memref<3200xi32, #tpu.memory_space<hbm>>
    tpu.enqueue_dma source(%dma_start3A_14 : memref<3200xi32, #tpu.memory_space<hbm>>) target(%arg6 : memref<3200xi32, #tpu.memory_space<vmem>>) target_semaphore(%arg13 : memref<!tpu.dma_semaphore, #tpu.memory_space<semaphore_mem>>)
    %add3A_15 = arith.constant 0 : i32
    %add3A_16 = arith.addi %mul3A_10, %add3A_15 : i32
    %dma_start3A_17 = tpu.memref_slice %arg2[%add3A_16] : memref<5120000xf32, #tpu.memory_space<hbm>> -> memref<6400xf32, #tpu.memory_space<hbm>>
    %dma_start3A_18 = tpu.memref_slice %arg2[%add3A_16] : memref<5120000xf32, #tpu.memory_space<hbm>> -> memref<6400xf32, #tpu.memory_space<hbm>>
    tpu.enqueue_dma source(%dma_start3A_18 : memref<6400xf32, #tpu.memory_space<hbm>>) target(%arg8 : memref<6400xf32, #tpu.memory_space<vmem>>) target_semaphore(%arg15 : memref<!tpu.dma_semaphore, #tpu.memory_space<semaphore_mem>>)
    %add3A_19 = arith.constant 0 : i32
    %add3A_20 = arith.addi %mul3A_10, %add3A_19 : i32
    %dma_start3A_21 = tpu.memref_slice %arg3[%add3A_20] : memref<5120000xf32, #tpu.memory_space<hbm>> -> memref<6400xf32, #tpu.memory_space<hbm>>
    %dma_start3A_22 = tpu.memref_slice %arg3[%add3A_20] : memref<5120000xf32, #tpu.memory_space<hbm>> -> memref<6400xf32, #tpu.memory_space<hbm>>
    tpu.enqueue_dma source(%dma_start3A_22 : memref<6400xf32, #tpu.memory_space<hbm>>) target(%arg10 : memref<6400xf32, #tpu.memory_space<vmem>>) target_semaphore(%arg17 : memref<!tpu.dma_semaphore, #tpu.memory_space<semaphore_mem>>)
    %add3A_23 = arith.constant 3200 : i32
    %add3A_24 = arith.addi %mul3A_4, %add3A_23 : i32
    %dma_start3A_25 = tpu.memref_slice %arg4[%add3A_24] : memref<2560000xi32, #tpu.memory_space<hbm>> -> memref<3200xi32, #tpu.memory_space<hbm>>
    %dma_start3A_26 = tpu.memref_slice %arg4[%add3A_24] : memref<2560000xi32, #tpu.memory_space<hbm>> -> memref<3200xi32, #tpu.memory_space<hbm>>
    tpu.enqueue_dma source(%dma_start3A_26 : memref<3200xi32, #tpu.memory_space<hbm>>) target(%arg7 : memref<3200xi32, #tpu.memory_space<vmem>>) target_semaphore(%arg14 : memref<!tpu.dma_semaphore, #tpu.memory_space<semaphore_mem>>)
    %add3A_27 = arith.constant 6400 : i32
    %add3A_28 = arith.addi %mul3A_10, %add3A_27 : i32
    %dma_start3A_29 = tpu.memref_slice %arg2[%add3A_28] : memref<5120000xf32, #tpu.memory_space<hbm>> -> memref<6400xf32, #tpu.memory_space<hbm>>
    %dma_start3A_30 = tpu.memref_slice %arg2[%add3A_28] : memref<5120000xf32, #tpu.memory_space<hbm>> -> memref<6400xf32, #tpu.memory_space<hbm>>
    tpu.enqueue_dma source(%dma_start3A_30 : memref<6400xf32, #tpu.memory_space<hbm>>) target(%arg9 : memref<6400xf32, #tpu.memory_space<vmem>>) target_semaphore(%arg16 : memref<!tpu.dma_semaphore, #tpu.memory_space<semaphore_mem>>)
    %add3A_31 = arith.constant 6400 : i32
    %add3A_32 = arith.addi %mul3A_10, %add3A_31 : i32
    %dma_start3A_33 = tpu.memref_slice %arg3[%add3A_32] : memref<5120000xf32, #tpu.memory_space<hbm>> -> memref<6400xf32, #tpu.memory_space<hbm>>
    %dma_start3A_34 = tpu.memref_slice %arg3[%add3A_32] : memref<5120000xf32, #tpu.memory_space<hbm>> -> memref<6400xf32, #tpu.memory_space<hbm>>
    tpu.enqueue_dma source(%dma_start3A_34 : memref<6400xf32, #tpu.memory_space<hbm>>) target(%arg11 : memref<6400xf32, #tpu.memory_space<vmem>>) target_semaphore(%arg18 : memref<!tpu.dma_semaphore, #tpu.memory_space<semaphore_mem>>)
    %scan3A = arith.constant 0 : i32
    %scan3A_35 = arith.constant 7 : i32
    %scan3A_36 = arith.addi %scan3A, %scan3A_35 : i32
    %scan3A_37 = arith.constant 1 : i32
    %scan3A_38:2 = scf.for %scan3A_60 = %scan3A to %scan3A_36 step %scan3A_37 iter_args(%scan3A_61 = %broadcast_in_dim3A_11, %scan3A_62 = %broadcast_in_dim3A_11) -> (vector<16xf32>, vector<16xf32>)  : i32 {
      %mul3A_63 = arith.constant 2 : i32
      %mul3A_64 = arith.muli %scan3A_60, %mul3A_63 : i32
      %dma_wait3A_65 = arith.constant 0 : i32
      %dma_wait3A_66 = tpu.memref_slice %arg4[%dma_wait3A_65] : memref<2560000xi32, #tpu.memory_space<hbm>> -> memref<3200xi32, #tpu.memory_space<hbm>>
      %dma_wait3A_67 = arith.constant 0 : i32
      %dma_wait3A_68 = tpu.memref_slice %arg4[%dma_wait3A_67] : memref<2560000xi32, #tpu.memory_space<hbm>> -> memref<3200xi32, #tpu.memory_space<hbm>>
      tpu.wait_dma2 semaphore(%arg13 : memref<!tpu.dma_semaphore, #tpu.memory_space<semaphore_mem>>) src(%dma_wait3A_68 : memref<3200xi32, #tpu.memory_space<hbm>>) dst(%arg6 : memref<3200xi32, #tpu.memory_space<vmem>>)
      %dma_wait3A_69 = arith.constant 0 : i32
      %dma_wait3A_70 = tpu.memref_slice %arg2[%dma_wait3A_69] : memref<5120000xf32, #tpu.memory_space<hbm>> -> memref<6400xf32, #tpu.memory_space<hbm>>
      %dma_wait3A_71 = arith.constant 0 : i32
      %dma_wait3A_72 = tpu.memref_slice %arg2[%dma_wait3A_71] : memref<5120000xf32, #tpu.memory_space<hbm>> -> memref<6400xf32, #tpu.memory_space<hbm>>
      tpu.wait_dma2 semaphore(%arg15 : memref<!tpu.dma_semaphore, #tpu.memory_space<semaphore_mem>>) src(%dma_wait3A_72 : memref<6400xf32, #tpu.memory_space<hbm>>) dst(%arg8 : memref<6400xf32, #tpu.memory_space<vmem>>)
      %dma_wait3A_73 = arith.constant 0 : i32
      %dma_wait3A_74 = tpu.memref_slice %arg3[%dma_wait3A_73] : memref<5120000xf32, #tpu.memory_space<hbm>> -> memref<6400xf32, #tpu.memory_space<hbm>>
      %dma_wait3A_75 = arith.constant 0 : i32
      %dma_wait3A_76 = tpu.memref_slice %arg3[%dma_wait3A_75] : memref<5120000xf32, #tpu.memory_space<hbm>> -> memref<6400xf32, #tpu.memory_space<hbm>>
      tpu.wait_dma2 semaphore(%arg17 : memref<!tpu.dma_semaphore, #tpu.memory_space<semaphore_mem>>) src(%dma_wait3A_76 : memref<6400xf32, #tpu.memory_space<hbm>>) dst(%arg10 : memref<6400xf32, #tpu.memory_space<vmem>>)
      %scan3A_77 = arith.constant 0 : i32
      %scan3A_78 = arith.constant 25 : i32
      %scan3A_79 = arith.addi %scan3A_77, %scan3A_78 : i32
      %scan3A_80 = arith.constant 1 : i32
      %scan3A_81:2 = scf.for %scan3A_116 = %scan3A_77 to %scan3A_79 step %scan3A_80 iter_args(%scan3A_117 = %scan3A_61, %scan3A_118 = %scan3A_62) -> (vector<16xf32>, vector<16xf32>)  : i32 {
        %mul3A_119 = arith.constant 128 : i32
        %mul3A_120 = arith.muli %scan3A_116, %mul3A_119 : i32
        %mul3A_121 = arith.constant 128 : i32
        %mul3A_122 = arith.muli %scan3A_116, %mul3A_121 : i32
        %mul3A_123 = arith.constant 2 : i32
        %mul3A_124 = arith.muli %mul3A_122, %mul3A_123 : i32
        %add3A_125 = arith.constant 0 : i32
        %add3A_126 = arith.addi %mul3A_120, %add3A_125 : i32
        %get3A = arith.index_cast %add3A_126 : i32 to index
        %get3A_127 = tpu.vector_load %arg6[%get3A] {strides = array<i32>} : memref<3200xi32, #tpu.memory_space<vmem>>, vector<16xi32>,
        %convert_element_type3A_128 = arith.sitofp %get3A_127 : vector<16xi32> to vector<16xf32>
        %add3A_129 = arith.constant 0 : i32
        %add3A_130 = arith.addi %mul3A_124, %add3A_129 : i32
        %get3A_131 = arith.index_cast %add3A_130 : i32 to index
        %get3A_132 = tpu.vector_load %arg8[%get3A_131] {strides = array<i32>} : memref<6400xf32, #tpu.memory_space<vmem>>, vector<16xf32>,
        %add3A_133 = arith.constant 0 : i32
        %add3A_134 = arith.addi %mul3A_124, %add3A_133 : i32
        %get3A_135 = arith.index_cast %add3A_134 : i32 to index
        %get3A_136 = tpu.vector_load %arg10[%get3A_135] {strides = array<i32>} : memref<6400xf32, #tpu.memory_space<vmem>>, vector<16xf32>,
        %add3A_137 = arith.constant 128 : i32
        %add3A_138 = arith.addi %mul3A_124, %add3A_137 : i32
        %add3A_139 = arith.constant 0 : i32
        %add3A_140 = arith.addi %add3A_138, %add3A_139 : i32
        %get3A_141 = arith.index_cast %add3A_140 : i32 to index
        %get3A_142 = tpu.vector_load %arg8[%get3A_141] {strides = array<i32>} : memref<6400xf32, #tpu.memory_space<vmem>>, vector<16xf32>,
        %add3A_143 = arith.constant 128 : i32
        %add3A_144 = arith.addi %mul3A_124, %add3A_143 : i32
        %add3A_145 = arith.constant 0 : i32
        %add3A_146 = arith.addi %add3A_144, %add3A_145 : i32
        %get3A_147 = arith.index_cast %add3A_146 : i32 to index
        %get3A_148 = tpu.vector_load %arg10[%get3A_147] {strides = array<i32>} : memref<6400xf32, #tpu.memory_space<vmem>>, vector<16xf32>,
        %sub3A = arith.subf %get3A_132, %get3A_136 : vector<16xf32>
        %abs3A = math.absf %sub3A : vector<16xf32>
        %sub3A_149 = arith.subf %get3A_142, %get3A_148 : vector<16xf32>
        %abs3A_150 = math.absf %sub3A_149 : vector<16xf32>
        %add3A_151 = arith.addf %abs3A, %abs3A_150 : vector<16xf32>
        %mul3A_152 = arith.mulf %add3A_151, %convert_element_type3A_128 : vector<16xf32>
        %add3A_153 = arith.addf %scan3A_117, %mul3A_152 : vector<16xf32>
        %add3A_154 = arith.addf %scan3A_118, %convert_element_type3A_128 : vector<16xf32>
        %add3A_155 = arith.constant 16 : i32
        %add3A_156 = arith.addi %mul3A_120, %add3A_155 : i32
        %get3A_157 = arith.index_cast %add3A_156 : i32 to index
        %get3A_158 = tpu.vector_load %arg6[%get3A_157] {strides = array<i32>} : memref<3200xi32, #tpu.memory_space<vmem>>, vector<16xi32>,
        %convert_element_type3A_159 = arith.sitofp %get3A_158 : vector<16xi32> to vector<16xf32>
        %add3A_160 = arith.constant 16 : i32
        %add3A_161 = arith.addi %mul3A_124, %add3A_160 : i32
        %get3A_162 = arith.index_cast %add3A_161 : i32 to index
        %get3A_163 = tpu.vector_load %arg8[%get3A_162] {strides = array<i32>} : memref<6400xf32, #tpu.memory_space<vmem>>, vector<16xf32>,
        %add3A_164 = arith.constant 16 : i32
        %add3A_165 = arith.addi %mul3A_124, %add3A_164 : i32
        %get3A_166 = arith.index_cast %add3A_165 : i32 to index
        %get3A_167 = tpu.vector_load %arg10[%get3A_166] {strides = array<i32>} : memref<6400xf32, #tpu.memory_space<vmem>>, vector<16xf32>,
        %add3A_168 = arith.constant 128 : i32
        %add3A_169 = arith.addi %mul3A_124, %add3A_168 : i32
        %add3A_170 = arith.constant 16 : i32
        %add3A_171 = arith.addi %add3A_169, %add3A_170 : i32
        %get3A_172 = arith.index_cast %add3A_171 : i32 to index
        %get3A_173 = tpu.vector_load %arg8[%get3A_172] {strides = array<i32>} : memref<6400xf32, #tpu.memory_space<vmem>>, vector<16xf32>,
        %add3A_174 = arith.constant 128 : i32
        %add3A_175 = arith.addi %mul3A_124, %add3A_174 : i32
        %add3A_176 = arith.constant 16 : i32
        %add3A_177 = arith.addi %add3A_175, %add3A_176 : i32
        %get3A_178 = arith.index_cast %add3A_177 : i32 to index
        %get3A_179 = tpu.vector_load %arg10[%get3A_178] {strides = array<i32>} : memref<6400xf32, #tpu.memory_space<vmem>>, vector<16xf32>,
        %sub3A_180 = arith.subf %get3A_163, %get3A_167 : vector<16xf32>
        %abs3A_181 = math.absf %sub3A_180 : vector<16xf32>
        %sub3A_182 = arith.subf %get3A_173, %get3A_179 : vector<16xf32>
        %abs3A_183 = math.absf %sub3A_182 : vector<16xf32>
        %add3A_184 = arith.addf %abs3A_181, %abs3A_183 : vector<16xf32>
        %mul3A_185 = arith.mulf %add3A_184, %convert_element_type3A_159 : vector<16xf32>
        %add3A_186 = arith.addf %add3A_153, %mul3A_185 : vector<16xf32>
        %add3A_187 = arith.addf %add3A_154, %convert_element_type3A_159 : vector<16xf32>
        %add3A_188 = arith.constant 32 : i32
        %add3A_189 = arith.addi %mul3A_120, %add3A_188 : i32
        %get3A_190 = arith.index_cast %add3A_189 : i32 to index
        %get3A_191 = tpu.vector_load %arg6[%get3A_190] {strides = array<i32>} : memref<3200xi32, #tpu.memory_space<vmem>>, vector<16xi32>,
        %convert_element_type3A_192 = arith.sitofp %get3A_191 : vector<16xi32> to vector<16xf32>
        %add3A_193 = arith.constant 32 : i32
        %add3A_194 = arith.addi %mul3A_124, %add3A_193 : i32
        %get3A_195 = arith.index_cast %add3A_194 : i32 to index
        %get3A_196 = tpu.vector_load %arg8[%get3A_195] {strides = array<i32>} : memref<6400xf32, #tpu.memory_space<vmem>>, vector<16xf32>,
        %add3A_197 = arith.constant 32 : i32
        %add3A_198 = arith.addi %mul3A_124, %add3A_197 : i32
        %get3A_199 = arith.index_cast %add3A_198 : i32 to index
        %get3A_200 = tpu.vector_load %arg10[%get3A_199] {strides = array<i32>} : memref<6400xf32, #tpu.memory_space<vmem>>, vector<16xf32>,
        %add3A_201 = arith.constant 128 : i32
        %add3A_202 = arith.addi %mul3A_124, %add3A_201 : i32
        %add3A_203 = arith.constant 32 : i32
        %add3A_204 = arith.addi %add3A_202, %add3A_203 : i32
        %get3A_205 = arith.index_cast %add3A_204 : i32 to index
        %get3A_206 = tpu.vector_load %arg8[%get3A_205] {strides = array<i32>} : memref<6400xf32, #tpu.memory_space<vmem>>, vector<16xf32>,
        %add3A_207 = arith.constant 128 : i32
        %add3A_208 = arith.addi %mul3A_124, %add3A_207 : i32
        %add3A_209 = arith.constant 32 : i32
        %add3A_210 = arith.addi %add3A_208, %add3A_209 : i32
        %get3A_211 = arith.index_cast %add3A_210 : i32 to index
        %get3A_212 = tpu.vector_load %arg10[%get3A_211] {strides = array<i32>} : memref<6400xf32, #tpu.memory_space<vmem>>, vector<16xf32>,
        %sub3A_213 = arith.subf %get3A_196, %get3A_200 : vector<16xf32>
        %abs3A_214 = math.absf %sub3A_213 : vector<16xf32>
        %sub3A_215 = arith.subf %get3A_206, %get3A_212 : vector<16xf32>
        %abs3A_216 = math.absf %sub3A_215 : vector<16xf32>
        %add3A_217 = arith.addf %abs3A_214, %abs3A_216 : vector<16xf32>
        %mul3A_218 = arith.mulf %add3A_217, %convert_element_type3A_192 : vector<16xf32>
        %add3A_219 = arith.addf %add3A_186, %mul3A_218 : vector<16xf32>
        %add3A_220 = arith.addf %add3A_187, %convert_element_type3A_192 : vector<16xf32>
        %add3A_221 = arith.constant 48 : i32
        %add3A_222 = arith.addi %mul3A_120, %add3A_221 : i32
        %get3A_223 = arith.index_cast %add3A_222 : i32 to index
        %get3A_224 = tpu.vector_load %arg6[%get3A_223] {strides = array<i32>} : memref<3200xi32, #tpu.memory_space<vmem>>, vector<16xi32>,
        %convert_element_type3A_225 = arith.sitofp %get3A_224 : vector<16xi32> to vector<16xf32>
        %add3A_226 = arith.constant 48 : i32
        %add3A_227 = arith.addi %mul3A_124, %add3A_226 : i32
        %get3A_228 = arith.index_cast %add3A_227 : i32 to index
        %get3A_229 = tpu.vector_load %arg8[%get3A_228] {strides = array<i32>} : memref<6400xf32, #tpu.memory_space<vmem>>, vector<16xf32>,
        %add3A_230 = arith.constant 48 : i32
        %add3A_231 = arith.addi %mul3A_124, %add3A_230 : i32
        %get3A_232 = arith.index_cast %add3A_231 : i32 to index
        %get3A_233 = tpu.vector_load %arg10[%get3A_232] {strides = array<i32>} : memref<6400xf32, #tpu.memory_space<vmem>>, vector<16xf32>,
        %add3A_234 = arith.constant 128 : i32
        %add3A_235 = arith.addi %mul3A_124, %add3A_234 : i32
        %add3A_236 = arith.constant 48 : i32
        %add3A_237 = arith.addi %add3A_235, %add3A_236 : i32
        %get3A_238 = arith.index_cast %add3A_237 : i32 to index
        %get3A_239 = tpu.vector_load %arg8[%get3A_238] {strides = array<i32>} : memref<6400xf32, #tpu.memory_space<vmem>>, vector<16xf32>,
        %add3A_240 = arith.constant 128 : i32
        %add3A_241 = arith.addi %mul3A_124, %add3A_240 : i32
        %add3A_242 = arith.constant 48 : i32
        %add3A_243 = arith.addi %add3A_241, %add3A_242 : i32
        %get3A_244 = arith.index_cast %add3A_243 : i32 to index
        %get3A_245 = tpu.vector_load %arg10[%get3A_244] {strides = array<i32>} : memref<6400xf32, #tpu.memory_space<vmem>>, vector<16xf32>,
        %sub3A_246 = arith.subf %get3A_229, %get3A_233 : vector<16xf32>
        %abs3A_247 = math.absf %sub3A_246 : vector<16xf32>
        %sub3A_248 = arith.subf %get3A_239, %get3A_245 : vector<16xf32>
        %abs3A_249 = math.absf %sub3A_248 : vector<16xf32>
        %add3A_250 = arith.addf %abs3A_247, %abs3A_249 : vector<16xf32>
        %mul3A_251 = arith.mulf %add3A_250, %convert_element_type3A_225 : vector<16xf32>
        %add3A_252 = arith.addf %add3A_219, %mul3A_251 : vector<16xf32>
        %add3A_253 = arith.addf %add3A_220, %convert_element_type3A_225 : vector<16xf32>
        %add3A_254 = arith.constant 64 : i32
        %add3A_255 = arith.addi %mul3A_120, %add3A_254 : i32
        %get3A_256 = arith.index_cast %add3A_255 : i32 to index
        %get3A_257 = tpu.vector_load %arg6[%get3A_256] {strides = array<i32>} : memref<3200xi32, #tpu.memory_space<vmem>>, vector<16xi32>,
        %convert_element_type3A_258 = arith.sitofp %get3A_257 : vector<16xi32> to vector<16xf32>
        %add3A_259 = arith.constant 64 : i32
        %add3A_260 = arith.addi %mul3A_124, %add3A_259 : i32
        %get3A_261 = arith.index_cast %add3A_260 : i32 to index
        %get3A_262 = tpu.vector_load %arg8[%get3A_261] {strides = array<i32>} : memref<6400xf32, #tpu.memory_space<vmem>>, vector<16xf32>,
        %add3A_263 = arith.constant 64 : i32
        %add3A_264 = arith.addi %mul3A_124, %add3A_263 : i32
        %get3A_265 = arith.index_cast %add3A_264 : i32 to index
        %get3A_266 = tpu.vector_load %arg10[%get3A_265] {strides = array<i32>} : memref<6400xf32, #tpu.memory_space<vmem>>, vector<16xf32>,
        %add3A_267 = arith.constant 128 : i32
        %add3A_268 = arith.addi %mul3A_124, %add3A_267 : i32
        %add3A_269 = arith.constant 64 : i32
        %add3A_270 = arith.addi %add3A_268, %add3A_269 : i32
        %get3A_271 = arith.index_cast %add3A_270 : i32 to index
        %get3A_272 = tpu.vector_load %arg8[%get3A_271] {strides = array<i32>} : memref<6400xf32, #tpu.memory_space<vmem>>, vector<16xf32>,
        %add3A_273 = arith.constant 128 : i32
        %add3A_274 = arith.addi %mul3A_124, %add3A_273 : i32
        %add3A_275 = arith.constant 64 : i32
        %add3A_276 = arith.addi %add3A_274, %add3A_275 : i32
        %get3A_277 = arith.index_cast %add3A_276 : i32 to index
        %get3A_278 = tpu.vector_load %arg10[%get3A_277] {strides = array<i32>} : memref<6400xf32, #tpu.memory_space<vmem>>, vector<16xf32>,
        %sub3A_279 = arith.subf %get3A_262, %get3A_266 : vector<16xf32>
        %abs3A_280 = math.absf %sub3A_279 : vector<16xf32>
        %sub3A_281 = arith.subf %get3A_272, %get3A_278 : vector<16xf32>
        %abs3A_282 = math.absf %sub3A_281 : vector<16xf32>
        %add3A_283 = arith.addf %abs3A_280, %abs3A_282 : vector<16xf32>
        %mul3A_284 = arith.mulf %add3A_283, %convert_element_type3A_258 : vector<16xf32>
        %add3A_285 = arith.addf %add3A_252, %mul3A_284 : vector<16xf32>
        %add3A_286 = arith.addf %add3A_253, %convert_element_type3A_258 : vector<16xf32>
        %add3A_287 = arith.constant 80 : i32
        %add3A_288 = arith.addi %mul3A_120, %add3A_287 : i32
        %get3A_289 = arith.index_cast %add3A_288 : i32 to index
        %get3A_290 = tpu.vector_load %arg6[%get3A_289] {strides = array<i32>} : memref<3200xi32, #tpu.memory_space<vmem>>, vector<16xi32>,
        %convert_element_type3A_291 = arith.sitofp %get3A_290 : vector<16xi32> to vector<16xf32>
        %add3A_292 = arith.constant 80 : i32
        %add3A_293 = arith.addi %mul3A_124, %add3A_292 : i32
        %get3A_294 = arith.index_cast %add3A_293 : i32 to index
        %get3A_295 = tpu.vector_load %arg8[%get3A_294] {strides = array<i32>} : memref<6400xf32, #tpu.memory_space<vmem>>, vector<16xf32>,
        %add3A_296 = arith.constant 80 : i32
        %add3A_297 = arith.addi %mul3A_124, %add3A_296 : i32
        %get3A_298 = arith.index_cast %add3A_297 : i32 to index
        %get3A_299 = tpu.vector_load %arg10[%get3A_298] {strides = array<i32>} : memref<6400xf32, #tpu.memory_space<vmem>>, vector<16xf32>,
        %add3A_300 = arith.constant 128 : i32
        %add3A_301 = arith.addi %mul3A_124, %add3A_300 : i32
        %add3A_302 = arith.constant 80 : i32
        %add3A_303 = arith.addi %add3A_301, %add3A_302 : i32
        %get3A_304 = arith.index_cast %add3A_303 : i32 to index
        %get3A_305 = tpu.vector_load %arg8[%get3A_304] {strides = array<i32>} : memref<6400xf32, #tpu.memory_space<vmem>>, vector<16xf32>,
        %add3A_306 = arith.constant 128 : i32
        %add3A_307 = arith.addi %mul3A_124, %add3A_306 : i32
        %add3A_308 = arith.constant 80 : i32
        %add3A_309 = arith.addi %add3A_307, %add3A_308 : i32
        %get3A_310 = arith.index_cast %add3A_309 : i32 to index
        %get3A_311 = tpu.vector_load %arg10[%get3A_310] {strides = array<i32>} : memref<6400xf32, #tpu.memory_space<vmem>>, vector<16xf32>,
        %sub3A_312 = arith.subf %get3A_295, %get3A_299 : vector<16xf32>
        %abs3A_313 = math.absf %sub3A_312 : vector<16xf32>
        %sub3A_314 = arith.subf %get3A_305, %get3A_311 : vector<16xf32>
        %abs3A_315 = math.absf %sub3A_314 : vector<16xf32>
        %add3A_316 = arith.addf %abs3A_313, %abs3A_315 : vector<16xf32>
        %mul3A_317 = arith.mulf %add3A_316, %convert_element_type3A_291 : vector<16xf32>
        %add3A_318 = arith.addf %add3A_285, %mul3A_317 : vector<16xf32>
        %add3A_319 = arith.addf %add3A_286, %convert_element_type3A_291 : vector<16xf32>
        %add3A_320 = arith.constant 96 : i32
        %add3A_321 = arith.addi %mul3A_120, %add3A_320 : i32
        %get3A_322 = arith.index_cast %add3A_321 : i32 to index
        %get3A_323 = tpu.vector_load %arg6[%get3A_322] {strides = array<i32>} : memref<3200xi32, #tpu.memory_space<vmem>>, vector<16xi32>,
        %convert_element_type3A_324 = arith.sitofp %get3A_323 : vector<16xi32> to vector<16xf32>
        %add3A_325 = arith.constant 96 : i32
        %add3A_326 = arith.addi %mul3A_124, %add3A_325 : i32
        %get3A_327 = arith.index_cast %add3A_326 : i32 to index
        %get3A_328 = tpu.vector_load %arg8[%get3A_327] {strides = array<i32>} : memref<6400xf32, #tpu.memory_space<vmem>>, vector<16xf32>,
        %add3A_329 = arith.constant 96 : i32
        %add3A_330 = arith.addi %mul3A_124, %add3A_329 : i32
        %get3A_331 = arith.index_cast %add3A_330 : i32 to index
        %get3A_332 = tpu.vector_load %arg10[%get3A_331] {strides = array<i32>} : memref<6400xf32, #tpu.memory_space<vmem>>, vector<16xf32>,
        %add3A_333 = arith.constant 128 : i32
        %add3A_334 = arith.addi %mul3A_124, %add3A_333 : i32
        %add3A_335 = arith.constant 96 : i32
        %add3A_336 = arith.addi %add3A_334, %add3A_335 : i32
        %get3A_337 = arith.index_cast %add3A_336 : i32 to index
        %get3A_338 = tpu.vector_load %arg8[%get3A_337] {strides = array<i32>} : memref<6400xf32, #tpu.memory_space<vmem>>, vector<16xf32>,
        %add3A_339 = arith.constant 128 : i32
        %add3A_340 = arith.addi %mul3A_124, %add3A_339 : i32
        %add3A_341 = arith.constant 96 : i32
        %add3A_342 = arith.addi %add3A_340, %add3A_341 : i32
        %get3A_343 = arith.index_cast %add3A_342 : i32 to index
        %get3A_344 = tpu.vector_load %arg10[%get3A_343] {strides = array<i32>} : memref<6400xf32, #tpu.memory_space<vmem>>, vector<16xf32>,
        %sub3A_345 = arith.subf %get3A_328, %get3A_332 : vector<16xf32>
        %abs3A_346 = math.absf %sub3A_345 : vector<16xf32>
        %sub3A_347 = arith.subf %get3A_338, %get3A_344 : vector<16xf32>
        %abs3A_348 = math.absf %sub3A_347 : vector<16xf32>
        %add3A_349 = arith.addf %abs3A_346, %abs3A_348 : vector<16xf32>
        %mul3A_350 = arith.mulf %add3A_349, %convert_element_type3A_324 : vector<16xf32>
        %add3A_351 = arith.addf %add3A_318, %mul3A_350 : vector<16xf32>
        %add3A_352 = arith.addf %add3A_319, %convert_element_type3A_324 : vector<16xf32>
        %add3A_353 = arith.constant 112 : i32
        %add3A_354 = arith.addi %mul3A_120, %add3A_353 : i32
        %get3A_355 = arith.index_cast %add3A_354 : i32 to index
        %get3A_356 = tpu.vector_load %arg6[%get3A_355] {strides = array<i32>} : memref<3200xi32, #tpu.memory_space<vmem>>, vector<16xi32>,
        %convert_element_type3A_357 = arith.sitofp %get3A_356 : vector<16xi32> to vector<16xf32>
        %add3A_358 = arith.constant 112 : i32
        %add3A_359 = arith.addi %mul3A_124, %add3A_358 : i32
        %get3A_360 = arith.index_cast %add3A_359 : i32 to index
        %get3A_361 = tpu.vector_load %arg8[%get3A_360] {strides = array<i32>} : memref<6400xf32, #tpu.memory_space<vmem>>, vector<16xf32>,
        %add3A_362 = arith.constant 112 : i32
        %add3A_363 = arith.addi %mul3A_124, %add3A_362 : i32
        %get3A_364 = arith.index_cast %add3A_363 : i32 to index
        %get3A_365 = tpu.vector_load %arg10[%get3A_364] {strides = array<i32>} : memref<6400xf32, #tpu.memory_space<vmem>>, vector<16xf32>,
        %add3A_366 = arith.constant 128 : i32
        %add3A_367 = arith.addi %mul3A_124, %add3A_366 : i32
        %add3A_368 = arith.constant 112 : i32
        %add3A_369 = arith.addi %add3A_367, %add3A_368 : i32
        %get3A_370 = arith.index_cast %add3A_369 : i32 to index
        %get3A_371 = tpu.vector_load %arg8[%get3A_370] {strides = array<i32>} : memref<6400xf32, #tpu.memory_space<vmem>>, vector<16xf32>,
        %add3A_372 = arith.constant 128 : i32
        %add3A_373 = arith.addi %mul3A_124, %add3A_372 : i32
        %add3A_374 = arith.constant 112 : i32
        %add3A_375 = arith.addi %add3A_373, %add3A_374 : i32
        %get3A_376 = arith.index_cast %add3A_375 : i32 to index
        %get3A_377 = tpu.vector_load %arg10[%get3A_376] {strides = array<i32>} : memref<6400xf32, #tpu.memory_space<vmem>>, vector<16xf32>,
        %sub3A_378 = arith.subf %get3A_361, %get3A_365 : vector<16xf32>
        %abs3A_379 = math.absf %sub3A_378 : vector<16xf32>
        %sub3A_380 = arith.subf %get3A_371, %get3A_377 : vector<16xf32>
        %abs3A_381 = math.absf %sub3A_380 : vector<16xf32>
        %add3A_382 = arith.addf %abs3A_379, %abs3A_381 : vector<16xf32>
        %mul3A_383 = arith.mulf %add3A_382, %convert_element_type3A_357 : vector<16xf32>
        %add3A_384 = arith.addf %add3A_351, %mul3A_383 : vector<16xf32>
        %add3A_385 = arith.addf %add3A_352, %convert_element_type3A_357 : vector<16xf32>
        scf.yield %add3A_384, %add3A_385 : vector<16xf32>, vector<16xf32>
      }
      %scan3A_82 = arith.constant 25 : i32
      %add3A_83 = arith.constant 2 : i32
      %add3A_84 = arith.addi %mul3A_64, %add3A_83 : i32
      %lt3A = arith.constant 15 : i32
      %lt3A_85 = arith.cmpi slt, %add3A_84, %lt3A : i32
      %convert_element_type3A = arith.extui %lt3A_85 : i1 to i32
      %cond3A = arith.constant 0 : i32
      %cond3A_86 = arith.cmpi ne, %convert_element_type3A, %cond3A : i32
      scf.if %cond3A_86 {
        %add3A_116 = arith.constant 2 : i32
        %add3A_117 = arith.addi %mul3A_64, %add3A_116 : i32
        %mul3A_118 = arith.constant 3200 : i32
        %mul3A_119 = arith.muli %add3A_117, %mul3A_118 : i32
        %add3A_120 = arith.addi %mul3A_4, %mul3A_119 : i32
        %dma_start3A_121 = tpu.memref_slice %arg4[%add3A_120] : memref<2560000xi32, #tpu.memory_space<hbm>> -> memref<3200xi32, #tpu.memory_space<hbm>>
        %dma_start3A_122 = tpu.memref_slice %arg4[%add3A_120] : memref<2560000xi32, #tpu.memory_space<hbm>> -> memref<3200xi32, #tpu.memory_space<hbm>>
        tpu.enqueue_dma source(%dma_start3A_122 : memref<3200xi32, #tpu.memory_space<hbm>>) target(%arg6 : memref<3200xi32, #tpu.memory_space<vmem>>) target_semaphore(%arg13 : memref<!tpu.dma_semaphore, #tpu.memory_space<semaphore_mem>>)
        %mul3A_123 = arith.constant 6400 : i32
        %mul3A_124 = arith.muli %add3A_117, %mul3A_123 : i32
        %add3A_125 = arith.addi %mul3A_10, %mul3A_124 : i32
        %dma_start3A_126 = tpu.memref_slice %arg2[%add3A_125] : memref<5120000xf32, #tpu.memory_space<hbm>> -> memref<6400xf32, #tpu.memory_space<hbm>>
        %dma_start3A_127 = tpu.memref_slice %arg2[%add3A_125] : memref<5120000xf32, #tpu.memory_space<hbm>> -> memref<6400xf32, #tpu.memory_space<hbm>>
        tpu.enqueue_dma source(%dma_start3A_127 : memref<6400xf32, #tpu.memory_space<hbm>>) target(%arg8 : memref<6400xf32, #tpu.memory_space<vmem>>) target_semaphore(%arg15 : memref<!tpu.dma_semaphore, #tpu.memory_space<semaphore_mem>>)
        %mul3A_128 = arith.constant 6400 : i32
        %mul3A_129 = arith.muli %add3A_117, %mul3A_128 : i32
        %add3A_130 = arith.addi %mul3A_10, %mul3A_129 : i32
        %dma_start3A_131 = tpu.memref_slice %arg3[%add3A_130] : memref<5120000xf32, #tpu.memory_space<hbm>> -> memref<6400xf32, #tpu.memory_space<hbm>>
        %dma_start3A_132 = tpu.memref_slice %arg3[%add3A_130] : memref<5120000xf32, #tpu.memory_space<hbm>> -> memref<6400xf32, #tpu.memory_space<hbm>>
        tpu.enqueue_dma source(%dma_start3A_132 : memref<6400xf32, #tpu.memory_space<hbm>>) target(%arg10 : memref<6400xf32, #tpu.memory_space<vmem>>) target_semaphore(%arg17 : memref<!tpu.dma_semaphore, #tpu.memory_space<semaphore_mem>>)
      } else {
      }
      %mul3A_87 = arith.constant 2 : i32
      %mul3A_88 = arith.muli %scan3A_60, %mul3A_87 : i32
      %add3A_89 = arith.constant 1 : i32
      %add3A_90 = arith.addi %mul3A_88, %add3A_89 : i32
      %dma_wait3A_91 = arith.constant 0 : i32
      %dma_wait3A_92 = tpu.memref_slice %arg4[%dma_wait3A_91] : memref<2560000xi32, #tpu.memory_space<hbm>> -> memref<3200xi32, #tpu.memory_space<hbm>>
      %dma_wait3A_93 = arith.constant 0 : i32
      %dma_wait3A_94 = tpu.memref_slice %arg4[%dma_wait3A_93] : memref<2560000xi32, #tpu.memory_space<hbm>> -> memref<3200xi32, #tpu.memory_space<hbm>>
      tpu.wait_dma2 semaphore(%arg14 : memref<!tpu.dma_semaphore, #tpu.memory_space<semaphore_mem>>) src(%dma_wait3A_94 : memref<3200xi32, #tpu.memory_space<hbm>>) dst(%arg7 : memref<3200xi32, #tpu.memory_space<vmem>>)
      %dma_wait3A_95 = arith.constant 0 : i32
      %dma_wait3A_96 = tpu.memref_slice %arg2[%dma_wait3A_95] : memref<5120000xf32, #tpu.memory_space<hbm>> -> memref<6400xf32, #tpu.memory_space<hbm>>
      %dma_wait3A_97 = arith.constant 0 : i32
      %dma_wait3A_98 = tpu.memref_slice %arg2[%dma_wait3A_97] : memref<5120000xf32, #tpu.memory_space<hbm>> -> memref<6400xf32, #tpu.memory_space<hbm>>
      tpu.wait_dma2 semaphore(%arg16 : memref<!tpu.dma_semaphore, #tpu.memory_space<semaphore_mem>>) src(%dma_wait3A_98 : memref<6400xf32, #tpu.memory_space<hbm>>) dst(%arg9 : memref<6400xf32, #tpu.memory_space<vmem>>)
      %dma_wait3A_99 = arith.constant 0 : i32
      %dma_wait3A_100 = tpu.memref_slice %arg3[%dma_wait3A_99] : memref<5120000xf32, #tpu.memory_space<hbm>> -> memref<6400xf32, #tpu.memory_space<hbm>>
      %dma_wait3A_101 = arith.constant 0 : i32
      %dma_wait3A_102 = tpu.memref_slice %arg3[%dma_wait3A_101] : memref<5120000xf32, #tpu.memory_space<hbm>> -> memref<6400xf32, #tpu.memory_space<hbm>>
      tpu.wait_dma2 semaphore(%arg18 : memref<!tpu.dma_semaphore, #tpu.memory_space<semaphore_mem>>) src(%dma_wait3A_102 : memref<6400xf32, #tpu.memory_space<hbm>>) dst(%arg11 : memref<6400xf32, #tpu.memory_space<vmem>>)
      %scan3A_103 = arith.constant 0 : i32
      %scan3A_104 = arith.constant 25 : i32
      %scan3A_105 = arith.addi %scan3A_103, %scan3A_104 : i32
      %scan3A_106 = arith.constant 1 : i32
      %scan3A_107:2 = scf.for %scan3A_116 = %scan3A_103 to %scan3A_105 step %scan3A_106 iter_args(%scan3A_117 = %scan3A_81#0, %scan3A_118 = %scan3A_81#1) -> (vector<16xf32>, vector<16xf32>)  : i32 {
        %mul3A_119 = arith.constant 128 : i32
        %mul3A_120 = arith.muli %scan3A_116, %mul3A_119 : i32
        %mul3A_121 = arith.constant 128 : i32
        %mul3A_122 = arith.muli %scan3A_116, %mul3A_121 : i32
        %mul3A_123 = arith.constant 2 : i32
        %mul3A_124 = arith.muli %mul3A_122, %mul3A_123 : i32
        %add3A_125 = arith.constant 0 : i32
        %add3A_126 = arith.addi %mul3A_120, %add3A_125 : i32
        %get3A = arith.index_cast %add3A_126 : i32 to index
        %get3A_127 = tpu.vector_load %arg7[%get3A] {strides = array<i32>} : memref<3200xi32, #tpu.memory_space<vmem>>, vector<16xi32>,
        %convert_element_type3A_128 = arith.sitofp %get3A_127 : vector<16xi32> to vector<16xf32>
        %add3A_129 = arith.constant 0 : i32
        %add3A_130 = arith.addi %mul3A_124, %add3A_129 : i32
        %get3A_131 = arith.index_cast %add3A_130 : i32 to index
        %get3A_132 = tpu.vector_load %arg9[%get3A_131] {strides = array<i32>} : memref<6400xf32, #tpu.memory_space<vmem>>, vector<16xf32>,
        %add3A_133 = arith.constant 0 : i32
        %add3A_134 = arith.addi %mul3A_124, %add3A_133 : i32
        %get3A_135 = arith.index_cast %add3A_134 : i32 to index
        %get3A_136 = tpu.vector_load %arg11[%get3A_135] {strides = array<i32>} : memref<6400xf32, #tpu.memory_space<vmem>>, vector<16xf32>,
        %add3A_137 = arith.constant 128 : i32
        %add3A_138 = arith.addi %mul3A_124, %add3A_137 : i32
        %add3A_139 = arith.constant 0 : i32
        %add3A_140 = arith.addi %add3A_138, %add3A_139 : i32
        %get3A_141 = arith.index_cast %add3A_140 : i32 to index
        %get3A_142 = tpu.vector_load %arg9[%get3A_141] {strides = array<i32>} : memref<6400xf32, #tpu.memory_space<vmem>>, vector<16xf32>,
        %add3A_143 = arith.constant 128 : i32
        %add3A_144 = arith.addi %mul3A_124, %add3A_143 : i32
        %add3A_145 = arith.constant 0 : i32
        %add3A_146 = arith.addi %add3A_144, %add3A_145 : i32
        %get3A_147 = arith.index_cast %add3A_146 : i32 to index
        %get3A_148 = tpu.vector_load %arg11[%get3A_147] {strides = array<i32>} : memref<6400xf32, #tpu.memory_space<vmem>>, vector<16xf32>,
        %sub3A = arith.subf %get3A_132, %get3A_136 : vector<16xf32>
        %abs3A = math.absf %sub3A : vector<16xf32>
        %sub3A_149 = arith.subf %get3A_142, %get3A_148 : vector<16xf32>
        %abs3A_150 = math.absf %sub3A_149 : vector<16xf32>
        %add3A_151 = arith.addf %abs3A, %abs3A_150 : vector<16xf32>
        %mul3A_152 = arith.mulf %add3A_151, %convert_element_type3A_128 : vector<16xf32>
        %add3A_153 = arith.addf %scan3A_117, %mul3A_152 : vector<16xf32>
        %add3A_154 = arith.addf %scan3A_118, %convert_element_type3A_128 : vector<16xf32>
        %add3A_155 = arith.constant 16 : i32
        %add3A_156 = arith.addi %mul3A_120, %add3A_155 : i32
        %get3A_157 = arith.index_cast %add3A_156 : i32 to index
        %get3A_158 = tpu.vector_load %arg7[%get3A_157] {strides = array<i32>} : memref<3200xi32, #tpu.memory_space<vmem>>, vector<16xi32>,
        %convert_element_type3A_159 = arith.sitofp %get3A_158 : vector<16xi32> to vector<16xf32>
        %add3A_160 = arith.constant 16 : i32
        %add3A_161 = arith.addi %mul3A_124, %add3A_160 : i32
        %get3A_162 = arith.index_cast %add3A_161 : i32 to index
        %get3A_163 = tpu.vector_load %arg9[%get3A_162] {strides = array<i32>} : memref<6400xf32, #tpu.memory_space<vmem>>, vector<16xf32>,
        %add3A_164 = arith.constant 16 : i32
        %add3A_165 = arith.addi %mul3A_124, %add3A_164 : i32
        %get3A_166 = arith.index_cast %add3A_165 : i32 to index
        %get3A_167 = tpu.vector_load %arg11[%get3A_166] {strides = array<i32>} : memref<6400xf32, #tpu.memory_space<vmem>>, vector<16xf32>,
        %add3A_168 = arith.constant 128 : i32
        %add3A_169 = arith.addi %mul3A_124, %add3A_168 : i32
        %add3A_170 = arith.constant 16 : i32
        %add3A_171 = arith.addi %add3A_169, %add3A_170 : i32
        %get3A_172 = arith.index_cast %add3A_171 : i32 to index
        %get3A_173 = tpu.vector_load %arg9[%get3A_172] {strides = array<i32>} : memref<6400xf32, #tpu.memory_space<vmem>>, vector<16xf32>,
        %add3A_174 = arith.constant 128 : i32
        %add3A_175 = arith.addi %mul3A_124, %add3A_174 : i32
        %add3A_176 = arith.constant 16 : i32
        %add3A_177 = arith.addi %add3A_175, %add3A_176 : i32
        %get3A_178 = arith.index_cast %add3A_177 : i32 to index
        %get3A_179 = tpu.vector_load %arg11[%get3A_178] {strides = array<i32>} : memref<6400xf32, #tpu.memory_space<vmem>>, vector<16xf32>,
        %sub3A_180 = arith.subf %get3A_163, %get3A_167 : vector<16xf32>
        %abs3A_181 = math.absf %sub3A_180 : vector<16xf32>
        %sub3A_182 = arith.subf %get3A_173, %get3A_179 : vector<16xf32>
        %abs3A_183 = math.absf %sub3A_182 : vector<16xf32>
        %add3A_184 = arith.addf %abs3A_181, %abs3A_183 : vector<16xf32>
        %mul3A_185 = arith.mulf %add3A_184, %convert_element_type3A_159 : vector<16xf32>
        %add3A_186 = arith.addf %add3A_153, %mul3A_185 : vector<16xf32>
        %add3A_187 = arith.addf %add3A_154, %convert_element_type3A_159 : vector<16xf32>
        %add3A_188 = arith.constant 32 : i32
        %add3A_189 = arith.addi %mul3A_120, %add3A_188 : i32
        %get3A_190 = arith.index_cast %add3A_189 : i32 to index
        %get3A_191 = tpu.vector_load %arg7[%get3A_190] {strides = array<i32>} : memref<3200xi32, #tpu.memory_space<vmem>>, vector<16xi32>,
        %convert_element_type3A_192 = arith.sitofp %get3A_191 : vector<16xi32> to vector<16xf32>
        %add3A_193 = arith.constant 32 : i32
        %add3A_194 = arith.addi %mul3A_124, %add3A_193 : i32
        %get3A_195 = arith.index_cast %add3A_194 : i32 to index
        %get3A_196 = tpu.vector_load %arg9[%get3A_195] {strides = array<i32>} : memref<6400xf32, #tpu.memory_space<vmem>>, vector<16xf32>,
        %add3A_197 = arith.constant 32 : i32
        %add3A_198 = arith.addi %mul3A_124, %add3A_197 : i32
        %get3A_199 = arith.index_cast %add3A_198 : i32 to index
        %get3A_200 = tpu.vector_load %arg11[%get3A_199] {strides = array<i32>} : memref<6400xf32, #tpu.memory_space<vmem>>, vector<16xf32>,
        %add3A_201 = arith.constant 128 : i32
        %add3A_202 = arith.addi %mul3A_124, %add3A_201 : i32
        %add3A_203 = arith.constant 32 : i32
        %add3A_204 = arith.addi %add3A_202, %add3A_203 : i32
        %get3A_205 = arith.index_cast %add3A_204 : i32 to index
        %get3A_206 = tpu.vector_load %arg9[%get3A_205] {strides = array<i32>} : memref<6400xf32, #tpu.memory_space<vmem>>, vector<16xf32>,
        %add3A_207 = arith.constant 128 : i32
        %add3A_208 = arith.addi %mul3A_124, %add3A_207 : i32
        %add3A_209 = arith.constant 32 : i32
        %add3A_210 = arith.addi %add3A_208, %add3A_209 : i32
        %get3A_211 = arith.index_cast %add3A_210 : i32 to index
        %get3A_212 = tpu.vector_load %arg11[%get3A_211] {strides = array<i32>} : memref<6400xf32, #tpu.memory_space<vmem>>, vector<16xf32>,
        %sub3A_213 = arith.subf %get3A_196, %get3A_200 : vector<16xf32>
        %abs3A_214 = math.absf %sub3A_213 : vector<16xf32>
        %sub3A_215 = arith.subf %get3A_206, %get3A_212 : vector<16xf32>
        %abs3A_216 = math.absf %sub3A_215 : vector<16xf32>
        %add3A_217 = arith.addf %abs3A_214, %abs3A_216 : vector<16xf32>
        %mul3A_218 = arith.mulf %add3A_217, %convert_element_type3A_192 : vector<16xf32>
        %add3A_219 = arith.addf %add3A_186, %mul3A_218 : vector<16xf32>
        %add3A_220 = arith.addf %add3A_187, %convert_element_type3A_192 : vector<16xf32>
        %add3A_221 = arith.constant 48 : i32
        %add3A_222 = arith.addi %mul3A_120, %add3A_221 : i32
        %get3A_223 = arith.index_cast %add3A_222 : i32 to index
        %get3A_224 = tpu.vector_load %arg7[%get3A_223] {strides = array<i32>} : memref<3200xi32, #tpu.memory_space<vmem>>, vector<16xi32>,
        %convert_element_type3A_225 = arith.sitofp %get3A_224 : vector<16xi32> to vector<16xf32>
        %add3A_226 = arith.constant 48 : i32
        %add3A_227 = arith.addi %mul3A_124, %add3A_226 : i32
        %get3A_228 = arith.index_cast %add3A_227 : i32 to index
        %get3A_229 = tpu.vector_load %arg9[%get3A_228] {strides = array<i32>} : memref<6400xf32, #tpu.memory_space<vmem>>, vector<16xf32>,
        %add3A_230 = arith.constant 48 : i32
        %add3A_231 = arith.addi %mul3A_124, %add3A_230 : i32
        %get3A_232 = arith.index_cast %add3A_231 : i32 to index
        %get3A_233 = tpu.vector_load %arg11[%get3A_232] {strides = array<i32>} : memref<6400xf32, #tpu.memory_space<vmem>>, vector<16xf32>,
        %add3A_234 = arith.constant 128 : i32
        %add3A_235 = arith.addi %mul3A_124, %add3A_234 : i32
        %add3A_236 = arith.constant 48 : i32
        %add3A_237 = arith.addi %add3A_235, %add3A_236 : i32
        %get3A_238 = arith.index_cast %add3A_237 : i32 to index
        %get3A_239 = tpu.vector_load %arg9[%get3A_238] {strides = array<i32>} : memref<6400xf32, #tpu.memory_space<vmem>>, vector<16xf32>,
        %add3A_240 = arith.constant 128 : i32
        %add3A_241 = arith.addi %mul3A_124, %add3A_240 : i32
        %add3A_242 = arith.constant 48 : i32
        %add3A_243 = arith.addi %add3A_241, %add3A_242 : i32
        %get3A_244 = arith.index_cast %add3A_243 : i32 to index
        %get3A_245 = tpu.vector_load %arg11[%get3A_244] {strides = array<i32>} : memref<6400xf32, #tpu.memory_space<vmem>>, vector<16xf32>,
        %sub3A_246 = arith.subf %get3A_229, %get3A_233 : vector<16xf32>
        %abs3A_247 = math.absf %sub3A_246 : vector<16xf32>
        %sub3A_248 = arith.subf %get3A_239, %get3A_245 : vector<16xf32>
        %abs3A_249 = math.absf %sub3A_248 : vector<16xf32>
        %add3A_250 = arith.addf %abs3A_247, %abs3A_249 : vector<16xf32>
        %mul3A_251 = arith.mulf %add3A_250, %convert_element_type3A_225 : vector<16xf32>
        %add3A_252 = arith.addf %add3A_219, %mul3A_251 : vector<16xf32>
        %add3A_253 = arith.addf %add3A_220, %convert_element_type3A_225 : vector<16xf32>
        %add3A_254 = arith.constant 64 : i32
        %add3A_255 = arith.addi %mul3A_120, %add3A_254 : i32
        %get3A_256 = arith.index_cast %add3A_255 : i32 to index
        %get3A_257 = tpu.vector_load %arg7[%get3A_256] {strides = array<i32>} : memref<3200xi32, #tpu.memory_space<vmem>>, vector<16xi32>,
        %convert_element_type3A_258 = arith.sitofp %get3A_257 : vector<16xi32> to vector<16xf32>
        %add3A_259 = arith.constant 64 : i32
        %add3A_260 = arith.addi %mul3A_124, %add3A_259 : i32
        %get3A_261 = arith.index_cast %add3A_260 : i32 to index
        %get3A_262 = tpu.vector_load %arg9[%get3A_261] {strides = array<i32>} : memref<6400xf32, #tpu.memory_space<vmem>>, vector<16xf32>,
        %add3A_263 = arith.constant 64 : i32
        %add3A_264 = arith.addi %mul3A_124, %add3A_263 : i32
        %get3A_265 = arith.index_cast %add3A_264 : i32 to index
        %get3A_266 = tpu.vector_load %arg11[%get3A_265] {strides = array<i32>} : memref<6400xf32, #tpu.memory_space<vmem>>, vector<16xf32>,
        %add3A_267 = arith.constant 128 : i32
        %add3A_268 = arith.addi %mul3A_124, %add3A_267 : i32
        %add3A_269 = arith.constant 64 : i32
        %add3A_270 = arith.addi %add3A_268, %add3A_269 : i32
        %get3A_271 = arith.index_cast %add3A_270 : i32 to index
        %get3A_272 = tpu.vector_load %arg9[%get3A_271] {strides = array<i32>} : memref<6400xf32, #tpu.memory_space<vmem>>, vector<16xf32>,
        %add3A_273 = arith.constant 128 : i32
        %add3A_274 = arith.addi %mul3A_124, %add3A_273 : i32
        %add3A_275 = arith.constant 64 : i32
        %add3A_276 = arith.addi %add3A_274, %add3A_275 : i32
        %get3A_277 = arith.index_cast %add3A_276 : i32 to index
        %get3A_278 = tpu.vector_load %arg11[%get3A_277] {strides = array<i32>} : memref<6400xf32, #tpu.memory_space<vmem>>, vector<16xf32>,
        %sub3A_279 = arith.subf %get3A_262, %get3A_266 : vector<16xf32>
        %abs3A_280 = math.absf %sub3A_279 : vector<16xf32>
        %sub3A_281 = arith.subf %get3A_272, %get3A_278 : vector<16xf32>
        %abs3A_282 = math.absf %sub3A_281 : vector<16xf32>
        %add3A_283 = arith.addf %abs3A_280, %abs3A_282 : vector<16xf32>
        %mul3A_284 = arith.mulf %add3A_283, %convert_element_type3A_258 : vector<16xf32>
        %add3A_285 = arith.addf %add3A_252, %mul3A_284 : vector<16xf32>
        %add3A_286 = arith.addf %add3A_253, %convert_element_type3A_258 : vector<16xf32>
        %add3A_287 = arith.constant 80 : i32
        %add3A_288 = arith.addi %mul3A_120, %add3A_287 : i32
        %get3A_289 = arith.index_cast %add3A_288 : i32 to index
        %get3A_290 = tpu.vector_load %arg7[%get3A_289] {strides = array<i32>} : memref<3200xi32, #tpu.memory_space<vmem>>, vector<16xi32>,
        %convert_element_type3A_291 = arith.sitofp %get3A_290 : vector<16xi32> to vector<16xf32>
        %add3A_292 = arith.constant 80 : i32
        %add3A_293 = arith.addi %mul3A_124, %add3A_292 : i32
        %get3A_294 = arith.index_cast %add3A_293 : i32 to index
        %get3A_295 = tpu.vector_load %arg9[%get3A_294] {strides = array<i32>} : memref<6400xf32, #tpu.memory_space<vmem>>, vector<16xf32>,
        %add3A_296 = arith.constant 80 : i32
        %add3A_297 = arith.addi %mul3A_124, %add3A_296 : i32
        %get3A_298 = arith.index_cast %add3A_297 : i32 to index
        %get3A_299 = tpu.vector_load %arg11[%get3A_298] {strides = array<i32>} : memref<6400xf32, #tpu.memory_space<vmem>>, vector<16xf32>,
        %add3A_300 = arith.constant 128 : i32
        %add3A_301 = arith.addi %mul3A_124, %add3A_300 : i32
        %add3A_302 = arith.constant 80 : i32
        %add3A_303 = arith.addi %add3A_301, %add3A_302 : i32
        %get3A_304 = arith.index_cast %add3A_303 : i32 to index
        %get3A_305 = tpu.vector_load %arg9[%get3A_304] {strides = array<i32>} : memref<6400xf32, #tpu.memory_space<vmem>>, vector<16xf32>,
        %add3A_306 = arith.constant 128 : i32
        %add3A_307 = arith.addi %mul3A_124, %add3A_306 : i32
        %add3A_308 = arith.constant 80 : i32
        %add3A_309 = arith.addi %add3A_307, %add3A_308 : i32
        %get3A_310 = arith.index_cast %add3A_309 : i32 to index
        %get3A_311 = tpu.vector_load %arg11[%get3A_310] {strides = array<i32>} : memref<6400xf32, #tpu.memory_space<vmem>>, vector<16xf32>,
        %sub3A_312 = arith.subf %get3A_295, %get3A_299 : vector<16xf32>
        %abs3A_313 = math.absf %sub3A_312 : vector<16xf32>
        %sub3A_314 = arith.subf %get3A_305, %get3A_311 : vector<16xf32>
        %abs3A_315 = math.absf %sub3A_314 : vector<16xf32>
        %add3A_316 = arith.addf %abs3A_313, %abs3A_315 : vector<16xf32>
        %mul3A_317 = arith.mulf %add3A_316, %convert_element_type3A_291 : vector<16xf32>
        %add3A_318 = arith.addf %add3A_285, %mul3A_317 : vector<16xf32>
        %add3A_319 = arith.addf %add3A_286, %convert_element_type3A_291 : vector<16xf32>
        %add3A_320 = arith.constant 96 : i32
        %add3A_321 = arith.addi %mul3A_120, %add3A_320 : i32
        %get3A_322 = arith.index_cast %add3A_321 : i32 to index
        %get3A_323 = tpu.vector_load %arg7[%get3A_322] {strides = array<i32>} : memref<3200xi32, #tpu.memory_space<vmem>>, vector<16xi32>,
        %convert_element_type3A_324 = arith.sitofp %get3A_323 : vector<16xi32> to vector<16xf32>
        %add3A_325 = arith.constant 96 : i32
        %add3A_326 = arith.addi %mul3A_124, %add3A_325 : i32
        %get3A_327 = arith.index_cast %add3A_326 : i32 to index
        %get3A_328 = tpu.vector_load %arg9[%get3A_327] {strides = array<i32>} : memref<6400xf32, #tpu.memory_space<vmem>>, vector<16xf32>,
        %add3A_329 = arith.constant 96 : i32
        %add3A_330 = arith.addi %mul3A_124, %add3A_329 : i32
        %get3A_331 = arith.index_cast %add3A_330 : i32 to index
        %get3A_332 = tpu.vector_load %arg11[%get3A_331] {strides = array<i32>} : memref<6400xf32, #tpu.memory_space<vmem>>, vector<16xf32>,
        %add3A_333 = arith.constant 128 : i32
        %add3A_334 = arith.addi %mul3A_124, %add3A_333 : i32
        %add3A_335 = arith.constant 96 : i32
        %add3A_336 = arith.addi %add3A_334, %add3A_335 : i32
        %get3A_337 = arith.index_cast %add3A_336 : i32 to index
        %get3A_338 = tpu.vector_load %arg9[%get3A_337] {strides = array<i32>} : memref<6400xf32, #tpu.memory_space<vmem>>, vector<16xf32>,
        %add3A_339 = arith.constant 128 : i32
        %add3A_340 = arith.addi %mul3A_124, %add3A_339 : i32
        %add3A_341 = arith.constant 96 : i32
        %add3A_342 = arith.addi %add3A_340, %add3A_341 : i32
        %get3A_343 = arith.index_cast %add3A_342 : i32 to index
        %get3A_344 = tpu.vector_load %arg11[%get3A_343] {strides = array<i32>} : memref<6400xf32, #tpu.memory_space<vmem>>, vector<16xf32>,
        %sub3A_345 = arith.subf %get3A_328, %get3A_332 : vector<16xf32>
        %abs3A_346 = math.absf %sub3A_345 : vector<16xf32>
        %sub3A_347 = arith.subf %get3A_338, %get3A_344 : vector<16xf32>
        %abs3A_348 = math.absf %sub3A_347 : vector<16xf32>
        %add3A_349 = arith.addf %abs3A_346, %abs3A_348 : vector<16xf32>
        %mul3A_350 = arith.mulf %add3A_349, %convert_element_type3A_324 : vector<16xf32>
        %add3A_351 = arith.addf %add3A_318, %mul3A_350 : vector<16xf32>
        %add3A_352 = arith.addf %add3A_319, %convert_element_type3A_324 : vector<16xf32>
        %add3A_353 = arith.constant 112 : i32
        %add3A_354 = arith.addi %mul3A_120, %add3A_353 : i32
        %get3A_355 = arith.index_cast %add3A_354 : i32 to index
        %get3A_356 = tpu.vector_load %arg7[%get3A_355] {strides = array<i32>} : memref<3200xi32, #tpu.memory_space<vmem>>, vector<16xi32>,
        %convert_element_type3A_357 = arith.sitofp %get3A_356 : vector<16xi32> to vector<16xf32>
        %add3A_358 = arith.constant 112 : i32
        %add3A_359 = arith.addi %mul3A_124, %add3A_358 : i32
        %get3A_360 = arith.index_cast %add3A_359 : i32 to index
        %get3A_361 = tpu.vector_load %arg9[%get3A_360] {strides = array<i32>} : memref<6400xf32, #tpu.memory_space<vmem>>, vector<16xf32>,
        %add3A_362 = arith.constant 112 : i32
        %add3A_363 = arith.addi %mul3A_124, %add3A_362 : i32
        %get3A_364 = arith.index_cast %add3A_363 : i32 to index
        %get3A_365 = tpu.vector_load %arg11[%get3A_364] {strides = array<i32>} : memref<6400xf32, #tpu.memory_space<vmem>>, vector<16xf32>,
        %add3A_366 = arith.constant 128 : i32
        %add3A_367 = arith.addi %mul3A_124, %add3A_366 : i32
        %add3A_368 = arith.constant 112 : i32
        %add3A_369 = arith.addi %add3A_367, %add3A_368 : i32
        %get3A_370 = arith.index_cast %add3A_369 : i32 to index
        %get3A_371 = tpu.vector_load %arg9[%get3A_370] {strides = array<i32>} : memref<6400xf32, #tpu.memory_space<vmem>>, vector<16xf32>,
        %add3A_372 = arith.constant 128 : i32
        %add3A_373 = arith.addi %mul3A_124, %add3A_372 : i32
        %add3A_374 = arith.constant 112 : i32
        %add3A_375 = arith.addi %add3A_373, %add3A_374 : i32
        %get3A_376 = arith.index_cast %add3A_375 : i32 to index
        %get3A_377 = tpu.vector_load %arg11[%get3A_376] {strides = array<i32>} : memref<6400xf32, #tpu.memory_space<vmem>>, vector<16xf32>,
        %sub3A_378 = arith.subf %get3A_361, %get3A_365 : vector<16xf32>
        %abs3A_379 = math.absf %sub3A_378 : vector<16xf32>
        %sub3A_380 = arith.subf %get3A_371, %get3A_377 : vector<16xf32>
        %abs3A_381 = math.absf %sub3A_380 : vector<16xf32>
        %add3A_382 = arith.addf %abs3A_379, %abs3A_381 : vector<16xf32>
        %mul3A_383 = arith.mulf %add3A_382, %convert_element_type3A_357 : vector<16xf32>
        %add3A_384 = arith.addf %add3A_351, %mul3A_383 : vector<16xf32>
        %add3A_385 = arith.addf %add3A_352, %convert_element_type3A_357 : vector<16xf32>
        scf.yield %add3A_384, %add3A_385 : vector<16xf32>, vector<16xf32>
      }
      %scan3A_108 = arith.constant 25 : i32
      %add3A_109 = arith.constant 2 : i32
      %add3A_110 = arith.addi %add3A_90, %add3A_109 : i32
      %lt3A_111 = arith.constant 15 : i32
      %lt3A_112 = arith.cmpi slt, %add3A_110, %lt3A_111 : i32
      %convert_element_type3A_113 = arith.extui %lt3A_112 : i1 to i32
      %cond3A_114 = arith.constant 0 : i32
      %cond3A_115 = arith.cmpi ne, %convert_element_type3A_113, %cond3A_114 : i32
      scf.if %cond3A_115 {
        %add3A_116 = arith.constant 2 : i32
        %add3A_117 = arith.addi %add3A_90, %add3A_116 : i32
        %mul3A_118 = arith.constant 3200 : i32
        %mul3A_119 = arith.muli %add3A_117, %mul3A_118 : i32
        %add3A_120 = arith.addi %mul3A_4, %mul3A_119 : i32
        %dma_start3A_121 = tpu.memref_slice %arg4[%add3A_120] : memref<2560000xi32, #tpu.memory_space<hbm>> -> memref<3200xi32, #tpu.memory_space<hbm>>
        %dma_start3A_122 = tpu.memref_slice %arg4[%add3A_120] : memref<2560000xi32, #tpu.memory_space<hbm>> -> memref<3200xi32, #tpu.memory_space<hbm>>
        tpu.enqueue_dma source(%dma_start3A_122 : memref<3200xi32, #tpu.memory_space<hbm>>) target(%arg7 : memref<3200xi32, #tpu.memory_space<vmem>>) target_semaphore(%arg14 : memref<!tpu.dma_semaphore, #tpu.memory_space<semaphore_mem>>)
        %mul3A_123 = arith.constant 6400 : i32
        %mul3A_124 = arith.muli %add3A_117, %mul3A_123 : i32
        %add3A_125 = arith.addi %mul3A_10, %mul3A_124 : i32
        %dma_start3A_126 = tpu.memref_slice %arg2[%add3A_125] : memref<5120000xf32, #tpu.memory_space<hbm>> -> memref<6400xf32, #tpu.memory_space<hbm>>
        %dma_start3A_127 = tpu.memref_slice %arg2[%add3A_125] : memref<5120000xf32, #tpu.memory_space<hbm>> -> memref<6400xf32, #tpu.memory_space<hbm>>
        tpu.enqueue_dma source(%dma_start3A_127 : memref<6400xf32, #tpu.memory_space<hbm>>) target(%arg9 : memref<6400xf32, #tpu.memory_space<vmem>>) target_semaphore(%arg16 : memref<!tpu.dma_semaphore, #tpu.memory_space<semaphore_mem>>)
        %mul3A_128 = arith.constant 6400 : i32
        %mul3A_129 = arith.muli %add3A_117, %mul3A_128 : i32
        %add3A_130 = arith.addi %mul3A_10, %mul3A_129 : i32
        %dma_start3A_131 = tpu.memref_slice %arg3[%add3A_130] : memref<5120000xf32, #tpu.memory_space<hbm>> -> memref<6400xf32, #tpu.memory_space<hbm>>
        %dma_start3A_132 = tpu.memref_slice %arg3[%add3A_130] : memref<5120000xf32, #tpu.memory_space<hbm>> -> memref<6400xf32, #tpu.memory_space<hbm>>
        tpu.enqueue_dma source(%dma_start3A_132 : memref<6400xf32, #tpu.memory_space<hbm>>) target(%arg11 : memref<6400xf32, #tpu.memory_space<vmem>>) target_semaphore(%arg18 : memref<!tpu.dma_semaphore, #tpu.memory_space<semaphore_mem>>)
      } else {
      }
      scf.yield %scan3A_107#0, %scan3A_107#1 : vector<16xf32>, vector<16xf32>
    }
    %scan3A_39 = arith.constant 7 : i32
    %dma_wait3A = arith.constant 0 : i32
    %dma_wait3A_40 = tpu.memref_slice %arg4[%dma_wait3A] : memref<2560000xi32, #tpu.memory_space<hbm>> -> memref<3200xi32, #tpu.memory_space<hbm>>
    %dma_wait3A_41 = arith.constant 0 : i32
    %dma_wait3A_42 = tpu.memref_slice %arg4[%dma_wait3A_41] : memref<2560000xi32, #tpu.memory_space<hbm>> -> memref<3200xi32, #tpu.memory_space<hbm>>
    tpu.wait_dma2 semaphore(%arg13 : memref<!tpu.dma_semaphore, #tpu.memory_space<semaphore_mem>>) src(%dma_wait3A_42 : memref<3200xi32, #tpu.memory_space<hbm>>) dst(%arg6 : memref<3200xi32, #tpu.memory_space<vmem>>)
    %dma_wait3A_43 = arith.constant 0 : i32
    %dma_wait3A_44 = tpu.memref_slice %arg2[%dma_wait3A_43] : memref<5120000xf32, #tpu.memory_space<hbm>> -> memref<6400xf32, #tpu.memory_space<hbm>>
    %dma_wait3A_45 = arith.constant 0 : i32
    %dma_wait3A_46 = tpu.memref_slice %arg2[%dma_wait3A_45] : memref<5120000xf32, #tpu.memory_space<hbm>> -> memref<6400xf32, #tpu.memory_space<hbm>>
    tpu.wait_dma2 semaphore(%arg15 : memref<!tpu.dma_semaphore, #tpu.memory_space<semaphore_mem>>) src(%dma_wait3A_46 : memref<6400xf32, #tpu.memory_space<hbm>>) dst(%arg8 : memref<6400xf32, #tpu.memory_space<vmem>>)
    %dma_wait3A_47 = arith.constant 0 : i32
    %dma_wait3A_48 = tpu.memref_slice %arg3[%dma_wait3A_47] : memref<5120000xf32, #tpu.memory_space<hbm>> -> memref<6400xf32, #tpu.memory_space<hbm>>
    %dma_wait3A_49 = arith.constant 0 : i32
    %dma_wait3A_50 = tpu.memref_slice %arg3[%dma_wait3A_49] : memref<5120000xf32, #tpu.memory_space<hbm>> -> memref<6400xf32, #tpu.memory_space<hbm>>
    tpu.wait_dma2 semaphore(%arg17 : memref<!tpu.dma_semaphore, #tpu.memory_space<semaphore_mem>>) src(%dma_wait3A_50 : memref<6400xf32, #tpu.memory_space<hbm>>) dst(%arg10 : memref<6400xf32, #tpu.memory_space<vmem>>)
    %scan3A_51 = arith.constant 0 : i32
    %scan3A_52 = arith.constant 25 : i32
    %scan3A_53 = arith.addi %scan3A_51, %scan3A_52 : i32
    %scan3A_54 = arith.constant 1 : i32
    %scan3A_55:2 = scf.for %scan3A_60 = %scan3A_51 to %scan3A_53 step %scan3A_54 iter_args(%scan3A_61 = %scan3A_38#0, %scan3A_62 = %scan3A_38#1) -> (vector<16xf32>, vector<16xf32>)  : i32 {
      %mul3A_63 = arith.constant 128 : i32
      %mul3A_64 = arith.muli %scan3A_60, %mul3A_63 : i32
      %mul3A_65 = arith.constant 128 : i32
      %mul3A_66 = arith.muli %scan3A_60, %mul3A_65 : i32
      %mul3A_67 = arith.constant 2 : i32
      %mul3A_68 = arith.muli %mul3A_66, %mul3A_67 : i32
      %add3A_69 = arith.constant 0 : i32
      %add3A_70 = arith.addi %mul3A_64, %add3A_69 : i32
      %get3A = arith.index_cast %add3A_70 : i32 to index
      %get3A_71 = tpu.vector_load %arg6[%get3A] {strides = array<i32>} : memref<3200xi32, #tpu.memory_space<vmem>>, vector<16xi32>,
      %convert_element_type3A = arith.sitofp %get3A_71 : vector<16xi32> to vector<16xf32>
      %add3A_72 = arith.constant 0 : i32
      %add3A_73 = arith.addi %mul3A_68, %add3A_72 : i32
      %get3A_74 = arith.index_cast %add3A_73 : i32 to index
      %get3A_75 = tpu.vector_load %arg8[%get3A_74] {strides = array<i32>} : memref<6400xf32, #tpu.memory_space<vmem>>, vector<16xf32>,
      %add3A_76 = arith.constant 0 : i32
      %add3A_77 = arith.addi %mul3A_68, %add3A_76 : i32
      %get3A_78 = arith.index_cast %add3A_77 : i32 to index
      %get3A_79 = tpu.vector_load %arg10[%get3A_78] {strides = array<i32>} : memref<6400xf32, #tpu.memory_space<vmem>>, vector<16xf32>,
      %add3A_80 = arith.constant 128 : i32
      %add3A_81 = arith.addi %mul3A_68, %add3A_80 : i32
      %add3A_82 = arith.constant 0 : i32
      %add3A_83 = arith.addi %add3A_81, %add3A_82 : i32
      %get3A_84 = arith.index_cast %add3A_83 : i32 to index
      %get3A_85 = tpu.vector_load %arg8[%get3A_84] {strides = array<i32>} : memref<6400xf32, #tpu.memory_space<vmem>>, vector<16xf32>,
      %add3A_86 = arith.constant 128 : i32
      %add3A_87 = arith.addi %mul3A_68, %add3A_86 : i32
      %add3A_88 = arith.constant 0 : i32
      %add3A_89 = arith.addi %add3A_87, %add3A_88 : i32
      %get3A_90 = arith.index_cast %add3A_89 : i32 to index
      %get3A_91 = tpu.vector_load %arg10[%get3A_90] {strides = array<i32>} : memref<6400xf32, #tpu.memory_space<vmem>>, vector<16xf32>,
      %sub3A = arith.subf %get3A_75, %get3A_79 : vector<16xf32>
      %abs3A = math.absf %sub3A : vector<16xf32>
      %sub3A_92 = arith.subf %get3A_85, %get3A_91 : vector<16xf32>
      %abs3A_93 = math.absf %sub3A_92 : vector<16xf32>
      %add3A_94 = arith.addf %abs3A, %abs3A_93 : vector<16xf32>
      %mul3A_95 = arith.mulf %add3A_94, %convert_element_type3A : vector<16xf32>
      %add3A_96 = arith.addf %scan3A_61, %mul3A_95 : vector<16xf32>
      %add3A_97 = arith.addf %scan3A_62, %convert_element_type3A : vector<16xf32>
      %add3A_98 = arith.constant 16 : i32
      %add3A_99 = arith.addi %mul3A_64, %add3A_98 : i32
      %get3A_100 = arith.index_cast %add3A_99 : i32 to index
      %get3A_101 = tpu.vector_load %arg6[%get3A_100] {strides = array<i32>} : memref<3200xi32, #tpu.memory_space<vmem>>, vector<16xi32>,
      %convert_element_type3A_102 = arith.sitofp %get3A_101 : vector<16xi32> to vector<16xf32>
      %add3A_103 = arith.constant 16 : i32
      %add3A_104 = arith.addi %mul3A_68, %add3A_103 : i32
      %get3A_105 = arith.index_cast %add3A_104 : i32 to index
      %get3A_106 = tpu.vector_load %arg8[%get3A_105] {strides = array<i32>} : memref<6400xf32, #tpu.memory_space<vmem>>, vector<16xf32>,
      %add3A_107 = arith.constant 16 : i32
      %add3A_108 = arith.addi %mul3A_68, %add3A_107 : i32
      %get3A_109 = arith.index_cast %add3A_108 : i32 to index
      %get3A_110 = tpu.vector_load %arg10[%get3A_109] {strides = array<i32>} : memref<6400xf32, #tpu.memory_space<vmem>>, vector<16xf32>,
      %add3A_111 = arith.constant 128 : i32
      %add3A_112 = arith.addi %mul3A_68, %add3A_111 : i32
      %add3A_113 = arith.constant 16 : i32
      %add3A_114 = arith.addi %add3A_112, %add3A_113 : i32
      %get3A_115 = arith.index_cast %add3A_114 : i32 to index
      %get3A_116 = tpu.vector_load %arg8[%get3A_115] {strides = array<i32>} : memref<6400xf32, #tpu.memory_space<vmem>>, vector<16xf32>,
      %add3A_117 = arith.constant 128 : i32
      %add3A_118 = arith.addi %mul3A_68, %add3A_117 : i32
      %add3A_119 = arith.constant 16 : i32
      %add3A_120 = arith.addi %add3A_118, %add3A_119 : i32
      %get3A_121 = arith.index_cast %add3A_120 : i32 to index
      %get3A_122 = tpu.vector_load %arg10[%get3A_121] {strides = array<i32>} : memref<6400xf32, #tpu.memory_space<vmem>>, vector<16xf32>,
      %sub3A_123 = arith.subf %get3A_106, %get3A_110 : vector<16xf32>
      %abs3A_124 = math.absf %sub3A_123 : vector<16xf32>
      %sub3A_125 = arith.subf %get3A_116, %get3A_122 : vector<16xf32>
      %abs3A_126 = math.absf %sub3A_125 : vector<16xf32>
      %add3A_127 = arith.addf %abs3A_124, %abs3A_126 : vector<16xf32>
      %mul3A_128 = arith.mulf %add3A_127, %convert_element_type3A_102 : vector<16xf32>
      %add3A_129 = arith.addf %add3A_96, %mul3A_128 : vector<16xf32>
      %add3A_130 = arith.addf %add3A_97, %convert_element_type3A_102 : vector<16xf32>
      %add3A_131 = arith.constant 32 : i32
      %add3A_132 = arith.addi %mul3A_64, %add3A_131 : i32
      %get3A_133 = arith.index_cast %add3A_132 : i32 to index
      %get3A_134 = tpu.vector_load %arg6[%get3A_133] {strides = array<i32>} : memref<3200xi32, #tpu.memory_space<vmem>>, vector<16xi32>,
      %convert_element_type3A_135 = arith.sitofp %get3A_134 : vector<16xi32> to vector<16xf32>
      %add3A_136 = arith.constant 32 : i32
      %add3A_137 = arith.addi %mul3A_68, %add3A_136 : i32
      %get3A_138 = arith.index_cast %add3A_137 : i32 to index
      %get3A_139 = tpu.vector_load %arg8[%get3A_138] {strides = array<i32>} : memref<6400xf32, #tpu.memory_space<vmem>>, vector<16xf32>,
      %add3A_140 = arith.constant 32 : i32
      %add3A_141 = arith.addi %mul3A_68, %add3A_140 : i32
      %get3A_142 = arith.index_cast %add3A_141 : i32 to index
      %get3A_143 = tpu.vector_load %arg10[%get3A_142] {strides = array<i32>} : memref<6400xf32, #tpu.memory_space<vmem>>, vector<16xf32>,
      %add3A_144 = arith.constant 128 : i32
      %add3A_145 = arith.addi %mul3A_68, %add3A_144 : i32
      %add3A_146 = arith.constant 32 : i32
      %add3A_147 = arith.addi %add3A_145, %add3A_146 : i32
      %get3A_148 = arith.index_cast %add3A_147 : i32 to index
      %get3A_149 = tpu.vector_load %arg8[%get3A_148] {strides = array<i32>} : memref<6400xf32, #tpu.memory_space<vmem>>, vector<16xf32>,
      %add3A_150 = arith.constant 128 : i32
      %add3A_151 = arith.addi %mul3A_68, %add3A_150 : i32
      %add3A_152 = arith.constant 32 : i32
      %add3A_153 = arith.addi %add3A_151, %add3A_152 : i32
      %get3A_154 = arith.index_cast %add3A_153 : i32 to index
      %get3A_155 = tpu.vector_load %arg10[%get3A_154] {strides = array<i32>} : memref<6400xf32, #tpu.memory_space<vmem>>, vector<16xf32>,
      %sub3A_156 = arith.subf %get3A_139, %get3A_143 : vector<16xf32>
      %abs3A_157 = math.absf %sub3A_156 : vector<16xf32>
      %sub3A_158 = arith.subf %get3A_149, %get3A_155 : vector<16xf32>
      %abs3A_159 = math.absf %sub3A_158 : vector<16xf32>
      %add3A_160 = arith.addf %abs3A_157, %abs3A_159 : vector<16xf32>
      %mul3A_161 = arith.mulf %add3A_160, %convert_element_type3A_135 : vector<16xf32>
      %add3A_162 = arith.addf %add3A_129, %mul3A_161 : vector<16xf32>
      %add3A_163 = arith.addf %add3A_130, %convert_element_type3A_135 : vector<16xf32>
      %add3A_164 = arith.constant 48 : i32
      %add3A_165 = arith.addi %mul3A_64, %add3A_164 : i32
      %get3A_166 = arith.index_cast %add3A_165 : i32 to index
      %get3A_167 = tpu.vector_load %arg6[%get3A_166] {strides = array<i32>} : memref<3200xi32, #tpu.memory_space<vmem>>, vector<16xi32>,
      %convert_element_type3A_168 = arith.sitofp %get3A_167 : vector<16xi32> to vector<16xf32>
      %add3A_169 = arith.constant 48 : i32
      %add3A_170 = arith.addi %mul3A_68, %add3A_169 : i32
      %get3A_171 = arith.index_cast %add3A_170 : i32 to index
      %get3A_172 = tpu.vector_load %arg8[%get3A_171] {strides = array<i32>} : memref<6400xf32, #tpu.memory_space<vmem>>, vector<16xf32>,
      %add3A_173 = arith.constant 48 : i32
      %add3A_174 = arith.addi %mul3A_68, %add3A_173 : i32
      %get3A_175 = arith.index_cast %add3A_174 : i32 to index
      %get3A_176 = tpu.vector_load %arg10[%get3A_175] {strides = array<i32>} : memref<6400xf32, #tpu.memory_space<vmem>>, vector<16xf32>,
      %add3A_177 = arith.constant 128 : i32
      %add3A_178 = arith.addi %mul3A_68, %add3A_177 : i32
      %add3A_179 = arith.constant 48 : i32
      %add3A_180 = arith.addi %add3A_178, %add3A_179 : i32
      %get3A_181 = arith.index_cast %add3A_180 : i32 to index
      %get3A_182 = tpu.vector_load %arg8[%get3A_181] {strides = array<i32>} : memref<6400xf32, #tpu.memory_space<vmem>>, vector<16xf32>,
      %add3A_183 = arith.constant 128 : i32
      %add3A_184 = arith.addi %mul3A_68, %add3A_183 : i32
      %add3A_185 = arith.constant 48 : i32
      %add3A_186 = arith.addi %add3A_184, %add3A_185 : i32
      %get3A_187 = arith.index_cast %add3A_186 : i32 to index
      %get3A_188 = tpu.vector_load %arg10[%get3A_187] {strides = array<i32>} : memref<6400xf32, #tpu.memory_space<vmem>>, vector<16xf32>,
      %sub3A_189 = arith.subf %get3A_172, %get3A_176 : vector<16xf32>
      %abs3A_190 = math.absf %sub3A_189 : vector<16xf32>
      %sub3A_191 = arith.subf %get3A_182, %get3A_188 : vector<16xf32>
      %abs3A_192 = math.absf %sub3A_191 : vector<16xf32>
      %add3A_193 = arith.addf %abs3A_190, %abs3A_192 : vector<16xf32>
      %mul3A_194 = arith.mulf %add3A_193, %convert_element_type3A_168 : vector<16xf32>
      %add3A_195 = arith.addf %add3A_162, %mul3A_194 : vector<16xf32>
      %add3A_196 = arith.addf %add3A_163, %convert_element_type3A_168 : vector<16xf32>
      %add3A_197 = arith.constant 64 : i32
      %add3A_198 = arith.addi %mul3A_64, %add3A_197 : i32
      %get3A_199 = arith.index_cast %add3A_198 : i32 to index
      %get3A_200 = tpu.vector_load %arg6[%get3A_199] {strides = array<i32>} : memref<3200xi32, #tpu.memory_space<vmem>>, vector<16xi32>,
      %convert_element_type3A_201 = arith.sitofp %get3A_200 : vector<16xi32> to vector<16xf32>
      %add3A_202 = arith.constant 64 : i32
      %add3A_203 = arith.addi %mul3A_68, %add3A_202 : i32
      %get3A_204 = arith.index_cast %add3A_203 : i32 to index
      %get3A_205 = tpu.vector_load %arg8[%get3A_204] {strides = array<i32>} : memref<6400xf32, #tpu.memory_space<vmem>>, vector<16xf32>,
      %add3A_206 = arith.constant 64 : i32
      %add3A_207 = arith.addi %mul3A_68, %add3A_206 : i32
      %get3A_208 = arith.index_cast %add3A_207 : i32 to index
      %get3A_209 = tpu.vector_load %arg10[%get3A_208] {strides = array<i32>} : memref<6400xf32, #tpu.memory_space<vmem>>, vector<16xf32>,
      %add3A_210 = arith.constant 128 : i32
      %add3A_211 = arith.addi %mul3A_68, %add3A_210 : i32
      %add3A_212 = arith.constant 64 : i32
      %add3A_213 = arith.addi %add3A_211, %add3A_212 : i32
      %get3A_214 = arith.index_cast %add3A_213 : i32 to index
      %get3A_215 = tpu.vector_load %arg8[%get3A_214] {strides = array<i32>} : memref<6400xf32, #tpu.memory_space<vmem>>, vector<16xf32>,
      %add3A_216 = arith.constant 128 : i32
      %add3A_217 = arith.addi %mul3A_68, %add3A_216 : i32
      %add3A_218 = arith.constant 64 : i32
      %add3A_219 = arith.addi %add3A_217, %add3A_218 : i32
      %get3A_220 = arith.index_cast %add3A_219 : i32 to index
      %get3A_221 = tpu.vector_load %arg10[%get3A_220] {strides = array<i32>} : memref<6400xf32, #tpu.memory_space<vmem>>, vector<16xf32>,
      %sub3A_222 = arith.subf %get3A_205, %get3A_209 : vector<16xf32>
      %abs3A_223 = math.absf %sub3A_222 : vector<16xf32>
      %sub3A_224 = arith.subf %get3A_215, %get3A_221 : vector<16xf32>
      %abs3A_225 = math.absf %sub3A_224 : vector<16xf32>
      %add3A_226 = arith.addf %abs3A_223, %abs3A_225 : vector<16xf32>
      %mul3A_227 = arith.mulf %add3A_226, %convert_element_type3A_201 : vector<16xf32>
      %add3A_228 = arith.addf %add3A_195, %mul3A_227 : vector<16xf32>
      %add3A_229 = arith.addf %add3A_196, %convert_element_type3A_201 : vector<16xf32>
      %add3A_230 = arith.constant 80 : i32
      %add3A_231 = arith.addi %mul3A_64, %add3A_230 : i32
      %get3A_232 = arith.index_cast %add3A_231 : i32 to index
      %get3A_233 = tpu.vector_load %arg6[%get3A_232] {strides = array<i32>} : memref<3200xi32, #tpu.memory_space<vmem>>, vector<16xi32>,
      %convert_element_type3A_234 = arith.sitofp %get3A_233 : vector<16xi32> to vector<16xf32>
      %add3A_235 = arith.constant 80 : i32
      %add3A_236 = arith.addi %mul3A_68, %add3A_235 : i32
      %get3A_237 = arith.index_cast %add3A_236 : i32 to index
      %get3A_238 = tpu.vector_load %arg8[%get3A_237] {strides = array<i32>} : memref<6400xf32, #tpu.memory_space<vmem>>, vector<16xf32>,
      %add3A_239 = arith.constant 80 : i32
      %add3A_240 = arith.addi %mul3A_68, %add3A_239 : i32
      %get3A_241 = arith.index_cast %add3A_240 : i32 to index
      %get3A_242 = tpu.vector_load %arg10[%get3A_241] {strides = array<i32>} : memref<6400xf32, #tpu.memory_space<vmem>>, vector<16xf32>,
      %add3A_243 = arith.constant 128 : i32
      %add3A_244 = arith.addi %mul3A_68, %add3A_243 : i32
      %add3A_245 = arith.constant 80 : i32
      %add3A_246 = arith.addi %add3A_244, %add3A_245 : i32
      %get3A_247 = arith.index_cast %add3A_246 : i32 to index
      %get3A_248 = tpu.vector_load %arg8[%get3A_247] {strides = array<i32>} : memref<6400xf32, #tpu.memory_space<vmem>>, vector<16xf32>,
      %add3A_249 = arith.constant 128 : i32
      %add3A_250 = arith.addi %mul3A_68, %add3A_249 : i32
      %add3A_251 = arith.constant 80 : i32
      %add3A_252 = arith.addi %add3A_250, %add3A_251 : i32
      %get3A_253 = arith.index_cast %add3A_252 : i32 to index
      %get3A_254 = tpu.vector_load %arg10[%get3A_253] {strides = array<i32>} : memref<6400xf32, #tpu.memory_space<vmem>>, vector<16xf32>,
      %sub3A_255 = arith.subf %get3A_238, %get3A_242 : vector<16xf32>
      %abs3A_256 = math.absf %sub3A_255 : vector<16xf32>
      %sub3A_257 = arith.subf %get3A_248, %get3A_254 : vector<16xf32>
      %abs3A_258 = math.absf %sub3A_257 : vector<16xf32>
      %add3A_259 = arith.addf %abs3A_256, %abs3A_258 : vector<16xf32>
      %mul3A_260 = arith.mulf %add3A_259, %convert_element_type3A_234 : vector<16xf32>
      %add3A_261 = arith.addf %add3A_228, %mul3A_260 : vector<16xf32>
      %add3A_262 = arith.addf %add3A_229, %convert_element_type3A_234 : vector<16xf32>
      %add3A_263 = arith.constant 96 : i32
      %add3A_264 = arith.addi %mul3A_64, %add3A_263 : i32
      %get3A_265 = arith.index_cast %add3A_264 : i32 to index
      %get3A_266 = tpu.vector_load %arg6[%get3A_265] {strides = array<i32>} : memref<3200xi32, #tpu.memory_space<vmem>>, vector<16xi32>,
      %convert_element_type3A_267 = arith.sitofp %get3A_266 : vector<16xi32> to vector<16xf32>
      %add3A_268 = arith.constant 96 : i32
      %add3A_269 = arith.addi %mul3A_68, %add3A_268 : i32
      %get3A_270 = arith.index_cast %add3A_269 : i32 to index
      %get3A_271 = tpu.vector_load %arg8[%get3A_270] {strides = array<i32>} : memref<6400xf32, #tpu.memory_space<vmem>>, vector<16xf32>,
      %add3A_272 = arith.constant 96 : i32
      %add3A_273 = arith.addi %mul3A_68, %add3A_272 : i32
      %get3A_274 = arith.index_cast %add3A_273 : i32 to index
      %get3A_275 = tpu.vector_load %arg10[%get3A_274] {strides = array<i32>} : memref<6400xf32, #tpu.memory_space<vmem>>, vector<16xf32>,
      %add3A_276 = arith.constant 128 : i32
      %add3A_277 = arith.addi %mul3A_68, %add3A_276 : i32
      %add3A_278 = arith.constant 96 : i32
      %add3A_279 = arith.addi %add3A_277, %add3A_278 : i32
      %get3A_280 = arith.index_cast %add3A_279 : i32 to index
      %get3A_281 = tpu.vector_load %arg8[%get3A_280] {strides = array<i32>} : memref<6400xf32, #tpu.memory_space<vmem>>, vector<16xf32>,
      %add3A_282 = arith.constant 128 : i32
      %add3A_283 = arith.addi %mul3A_68, %add3A_282 : i32
      %add3A_284 = arith.constant 96 : i32
      %add3A_285 = arith.addi %add3A_283, %add3A_284 : i32
      %get3A_286 = arith.index_cast %add3A_285 : i32 to index
      %get3A_287 = tpu.vector_load %arg10[%get3A_286] {strides = array<i32>} : memref<6400xf32, #tpu.memory_space<vmem>>, vector<16xf32>,
      %sub3A_288 = arith.subf %get3A_271, %get3A_275 : vector<16xf32>
      %abs3A_289 = math.absf %sub3A_288 : vector<16xf32>
      %sub3A_290 = arith.subf %get3A_281, %get3A_287 : vector<16xf32>
      %abs3A_291 = math.absf %sub3A_290 : vector<16xf32>
      %add3A_292 = arith.addf %abs3A_289, %abs3A_291 : vector<16xf32>
      %mul3A_293 = arith.mulf %add3A_292, %convert_element_type3A_267 : vector<16xf32>
      %add3A_294 = arith.addf %add3A_261, %mul3A_293 : vector<16xf32>
      %add3A_295 = arith.addf %add3A_262, %convert_element_type3A_267 : vector<16xf32>
      %add3A_296 = arith.constant 112 : i32
      %add3A_297 = arith.addi %mul3A_64, %add3A_296 : i32
      %get3A_298 = arith.index_cast %add3A_297 : i32 to index
      %get3A_299 = tpu.vector_load %arg6[%get3A_298] {strides = array<i32>} : memref<3200xi32, #tpu.memory_space<vmem>>, vector<16xi32>,
      %convert_element_type3A_300 = arith.sitofp %get3A_299 : vector<16xi32> to vector<16xf32>
      %add3A_301 = arith.constant 112 : i32
      %add3A_302 = arith.addi %mul3A_68, %add3A_301 : i32
      %get3A_303 = arith.index_cast %add3A_302 : i32 to index
      %get3A_304 = tpu.vector_load %arg8[%get3A_303] {strides = array<i32>} : memref<6400xf32, #tpu.memory_space<vmem>>, vector<16xf32>,
      %add3A_305 = arith.constant 112 : i32
      %add3A_306 = arith.addi %mul3A_68, %add3A_305 : i32
      %get3A_307 = arith.index_cast %add3A_306 : i32 to index
      %get3A_308 = tpu.vector_load %arg10[%get3A_307] {strides = array<i32>} : memref<6400xf32, #tpu.memory_space<vmem>>, vector<16xf32>,
      %add3A_309 = arith.constant 128 : i32
      %add3A_310 = arith.addi %mul3A_68, %add3A_309 : i32
      %add3A_311 = arith.constant 112 : i32
      %add3A_312 = arith.addi %add3A_310, %add3A_311 : i32
      %get3A_313 = arith.index_cast %add3A_312 : i32 to index
      %get3A_314 = tpu.vector_load %arg8[%get3A_313] {strides = array<i32>} : memref<6400xf32, #tpu.memory_space<vmem>>, vector<16xf32>,
      %add3A_315 = arith.constant 128 : i32
      %add3A_316 = arith.addi %mul3A_68, %add3A_315 : i32
      %add3A_317 = arith.constant 112 : i32
      %add3A_318 = arith.addi %add3A_316, %add3A_317 : i32
      %get3A_319 = arith.index_cast %add3A_318 : i32 to index
      %get3A_320 = tpu.vector_load %arg10[%get3A_319] {strides = array<i32>} : memref<6400xf32, #tpu.memory_space<vmem>>, vector<16xf32>,
      %sub3A_321 = arith.subf %get3A_304, %get3A_308 : vector<16xf32>
      %abs3A_322 = math.absf %sub3A_321 : vector<16xf32>
      %sub3A_323 = arith.subf %get3A_314, %get3A_320 : vector<16xf32>
      %abs3A_324 = math.absf %sub3A_323 : vector<16xf32>
      %add3A_325 = arith.addf %abs3A_322, %abs3A_324 : vector<16xf32>
      %mul3A_326 = arith.mulf %add3A_325, %convert_element_type3A_300 : vector<16xf32>
      %add3A_327 = arith.addf %add3A_294, %mul3A_326 : vector<16xf32>
      %add3A_328 = arith.addf %add3A_295, %convert_element_type3A_300 : vector<16xf32>
      scf.yield %add3A_327, %add3A_328 : vector<16xf32>, vector<16xf32>
    }
    %scan3A_56 = arith.constant 25 : i32
    %swap3A = arith.constant 0 : index
    %swap3A_57 = tpu.vector_load %arg12[%swap3A] {strides = array<i32>} : memref<32xf32, #tpu.memory_space<vmem>>, vector<16xf32>,
    tpu.vector_store %arg12[%swap3A], %scan3A_55#0 {strides = array<i32>} : memref<32xf32, #tpu.memory_space<vmem>>, vector<16xf32>,
    %swap3A_58 = arith.constant 16 : index
    %swap3A_59 = tpu.vector_load %arg12[%swap3A_58] {strides = array<i32>} : memref<32xf32, #tpu.memory_space<vmem>>, vector<16xf32>,
    tpu.vector_store %arg12[%swap3A_58], %scan3A_55#1 {strides = array<i32>} : memref<32xf32, #tpu.memory_space<vmem>>, vector<16xf32>,
    "tpu.region"() ({
      %run_scoped3A = tpu.sem_alloc : memref<!tpu.dma_semaphore, #tpu.memory_space<semaphore_mem>>
      %dma_start3A_60 = arith.constant 0 : i32
      %dma_start3A_61 = tpu.memref_slice %arg5[%add3A, %dma_start3A_60] : memref<32x32xf32, #tpu.memory_space<hbm>> -> memref<1x32xf32, #tpu.memory_space<hbm>>
      %dma_start3A_62 = tpu.memref_squeeze %dma_start3A_61 : memref<1x32xf32, #tpu.memory_space<hbm>> -> memref<32xf32, #tpu.memory_space<hbm>>
      %dma_start3A_63 = arith.constant 0 : i32
      %dma_start3A_64 = tpu.memref_slice %arg5[%add3A, %dma_start3A_63] : memref<32x32xf32, #tpu.memory_space<hbm>> -> memref<1x32xf32, #tpu.memory_space<hbm>>
      %dma_start3A_65 = tpu.memref_squeeze %dma_start3A_64 : memref<1x32xf32, #tpu.memory_space<hbm>> -> memref<32xf32, #tpu.memory_space<hbm>>
      tpu.enqueue_dma source(%arg12 : memref<32xf32, #tpu.memory_space<vmem>>) target(%dma_start3A_65 : memref<32xf32, #tpu.memory_space<hbm>>) target_semaphore(%run_scoped3A : memref<!tpu.dma_semaphore, #tpu.memory_space<semaphore_mem>>)
      %dma_wait3A_66 = arith.constant 0 : i32
      %dma_wait3A_67 = tpu.memref_slice %arg5[%add3A, %dma_wait3A_66] : memref<32x32xf32, #tpu.memory_space<hbm>> -> memref<1x32xf32, #tpu.memory_space<hbm>>
      %dma_wait3A_68 = tpu.memref_squeeze %dma_wait3A_67 : memref<1x32xf32, #tpu.memory_space<hbm>> -> memref<32xf32, #tpu.memory_space<hbm>>
      %dma_wait3A_69 = arith.constant 0 : i32
      %dma_wait3A_70 = tpu.memref_slice %arg5[%add3A, %dma_wait3A_69] : memref<32x32xf32, #tpu.memory_space<hbm>> -> memref<1x32xf32, #tpu.memory_space<hbm>>
      %dma_wait3A_71 = tpu.memref_squeeze %dma_wait3A_70 : memref<1x32xf32, #tpu.memory_space<hbm>> -> memref<32xf32, #tpu.memory_space<hbm>>
      tpu.wait_dma2 semaphore(%run_scoped3A : memref<!tpu.dma_semaphore, #tpu.memory_space<semaphore_mem>>) src(%arg12 : memref<32xf32, #tpu.memory_space<vmem>>) dst(%dma_wait3A_71 : memref<32xf32, #tpu.memory_space<hbm>>)
      tpu.yield
    }) : () -> ()
    return
  }
}

module attributes {stable_mosaic.version = 14 : i64} {
  func.func @_tc_body(%arg0: i32, %arg1: memref<800x128xf32, #tpu.memory_space<vmem>>, %arg2: memref<800x128xf32, #tpu.memory_space<vmem>>, %arg3: memref<400x128xi32, #tpu.memory_space<vmem>>, %arg4: memref<1x128xf32, #tpu.memory_space<vmem>>, %arg5: memref<1x128xf32, #tpu.memory_space<vmem>>) attributes {dimension_semantics = [#tpu.dimension_semantics<arbitrary>], iteration_bounds = array<i64: 20>, scalar_prefetch = 0 : i64, scratch_operands = 0 : i64, tpu.core_type = #tpu.core_type<tc>, window_params = [{transform_indices = @transform_0, window_bounds = array<i64: 800, 128>}, {transform_indices = @transform_1, window_bounds = array<i64: 800, 128>}, {transform_indices = @transform_2, window_bounds = array<i64: 400, 128>}, {pipeline_mode = #tpu.pipeline_mode<synchronous>, transform_indices = @transform_3, window_bounds = array<i64: 1, 128>}, {pipeline_mode = #tpu.pipeline_mode<synchronous>, transform_indices = @transform_4, window_bounds = array<i64: 1, 128>}]} {
    %get3A = arith.constant 0 : index
    %get3A_0 = arith.constant 0 : index
    %get3A_1 = vector.load %arg3[%get3A, %get3A_0] : memref<400x128xi32, #tpu.memory_space<vmem>>, vector<400x128xi32>
    %convert_element_type3A = arith.sitofp %get3A_1 : vector<400x128xi32> to vector<400x128xf32>
    %get3A_2 = arith.constant 0 : index
    %get3A_3 = arith.constant 0 : index
    %get3A_4 = vector.load %arg1[%get3A_2, %get3A_3] : memref<800x128xf32, #tpu.memory_space<vmem>>, vector<800x128xf32>
    %get3A_5 = arith.constant 0 : index
    %get3A_6 = arith.constant 0 : index
    %get3A_7 = vector.load %arg2[%get3A_5, %get3A_6] : memref<800x128xf32, #tpu.memory_space<vmem>>, vector<800x128xf32>
    %sub3A = arith.subf %get3A_4, %get3A_7 : vector<800x128xf32>
    %abs3A = math.absf %sub3A : vector<800x128xf32>
    %broadcast_in_dim3A = vector.shape_cast %convert_element_type3A : vector<400x128xf32> to vector<400x1x128xf32>
    %broadcast_in_dim3A_8 = vector.shape_cast %broadcast_in_dim3A : vector<400x1x128xf32> to vector<400x1x128xf32>
    %broadcast_in_dim3A_9 = vector.broadcast %broadcast_in_dim3A_8 : vector<400x1x128xf32> to vector<400x2x128xf32>
    %reshape3A = vector.shape_cast %broadcast_in_dim3A_9 : vector<400x2x128xf32> to vector<800x128xf32>
    %mul3A = arith.mulf %abs3A, %reshape3A : vector<800x128xf32>
    %reduce_sum3A = arith.constant dense<0.000000e+00> : vector<128xf32>
    %reduce_sum3A_10 = vector.multi_reduction <add>, %mul3A, %reduce_sum3A [0] : vector<800x128xf32> to vector<128xf32>
    %broadcast_in_dim3A_11 = vector.shape_cast %reduce_sum3A_10 : vector<128xf32> to vector<1x128xf32>
    %reduce_sum3A_12 = arith.constant dense<0.000000e+00> : vector<128xf32>
    %reduce_sum3A_13 = vector.multi_reduction <add>, %convert_element_type3A, %reduce_sum3A_12 [0] : vector<400x128xf32> to vector<128xf32>
    %broadcast_in_dim3A_14 = vector.shape_cast %reduce_sum3A_13 : vector<128xf32> to vector<1x128xf32>
    %eq3A = arith.constant 0 : i32
    %eq3A_15 = arith.cmpi eq, %arg0, %eq3A : i32
    %convert_element_type3A_16 = arith.extui %eq3A_15 : i1 to i32
    %cond3A = arith.constant 0 : i32
    %cond3A_17 = arith.cmpi ne, %convert_element_type3A_16, %cond3A : i32
    scf.if %cond3A_17 {
      %broadcast_in_dim3A_30 = arith.constant 0.000000e+00 : f32
      %broadcast_in_dim3A_31 = vector.broadcast %broadcast_in_dim3A_30 : f32 to vector<1x128xf32>
      %swap3A_32 = arith.constant 0 : index
      %swap3A_33 = arith.constant 0 : index
      %swap3A_34 = vector.load %arg4[%swap3A_32, %swap3A_33] : memref<1x128xf32, #tpu.memory_space<vmem>>, vector<1x128xf32>
      tpu.vector_store %arg4[%swap3A_32, %swap3A_33], %broadcast_in_dim3A_31 {strides = array<i32>} : memref<1x128xf32, #tpu.memory_space<vmem>>, vector<1x128xf32>,
      %broadcast_in_dim3A_35 = arith.constant 0.000000e+00 : f32
      %broadcast_in_dim3A_36 = vector.broadcast %broadcast_in_dim3A_35 : f32 to vector<1x128xf32>
      %swap3A_37 = arith.constant 0 : index
      %swap3A_38 = arith.constant 0 : index
      %swap3A_39 = vector.load %arg5[%swap3A_37, %swap3A_38] : memref<1x128xf32, #tpu.memory_space<vmem>>, vector<1x128xf32>
      tpu.vector_store %arg5[%swap3A_37, %swap3A_38], %broadcast_in_dim3A_36 {strides = array<i32>} : memref<1x128xf32, #tpu.memory_space<vmem>>, vector<1x128xf32>,
    } else {
    }
    %get3A_18 = arith.constant 0 : index
    %get3A_19 = arith.constant 0 : index
    %get3A_20 = vector.load %arg4[%get3A_18, %get3A_19] : memref<1x128xf32, #tpu.memory_space<vmem>>, vector<1x128xf32>
    %add3A = arith.addf %get3A_20, %broadcast_in_dim3A_11 : vector<1x128xf32>
    %swap3A = arith.constant 0 : index
    %swap3A_21 = arith.constant 0 : index
    %swap3A_22 = vector.load %arg4[%swap3A, %swap3A_21] : memref<1x128xf32, #tpu.memory_space<vmem>>, vector<1x128xf32>
    tpu.vector_store %arg4[%swap3A, %swap3A_21], %add3A {strides = array<i32>} : memref<1x128xf32, #tpu.memory_space<vmem>>, vector<1x128xf32>,
    %get3A_23 = arith.constant 0 : index
    %get3A_24 = arith.constant 0 : index
    %get3A_25 = vector.load %arg5[%get3A_23, %get3A_24] : memref<1x128xf32, #tpu.memory_space<vmem>>, vector<1x128xf32>
    %add3A_26 = arith.addf %get3A_25, %broadcast_in_dim3A_14 : vector<1x128xf32>
    %swap3A_27 = arith.constant 0 : index
    %swap3A_28 = arith.constant 0 : index
    %swap3A_29 = vector.load %arg5[%swap3A_27, %swap3A_28] : memref<1x128xf32, #tpu.memory_space<vmem>>, vector<1x128xf32>
    tpu.vector_store %arg5[%swap3A_27, %swap3A_28], %add3A_26 {strides = array<i32>} : memref<1x128xf32, #tpu.memory_space<vmem>>, vector<1x128xf32>,
    return
  }
  func.func @transform_0(%arg0: i32) -> (i32, i32) {
    %add3A = arith.constant 30 : i32
    %add3A_0 = arith.addi %add3A, %arg0 : i32
    %c0_i32 = arith.constant 0 : i32
    %c0_i32_1 = arith.constant 0 : i32
    return %add3A_0, %c0_i32 : i32, i32
  }
  func.func @transform_1(%arg0: i32) -> (i32, i32) {
    %add3A = arith.constant 30 : i32
    %add3A_0 = arith.addi %add3A, %arg0 : i32
    %c0_i32 = arith.constant 0 : i32
    %c0_i32_1 = arith.constant 0 : i32
    return %add3A_0, %c0_i32 : i32, i32
  }
  func.func @transform_2(%arg0: i32) -> (i32, i32) {
    %add3A = arith.constant 30 : i32
    %add3A_0 = arith.addi %add3A, %arg0 : i32
    %c0_i32 = arith.constant 0 : i32
    %c0_i32_1 = arith.constant 0 : i32
    return %add3A_0, %c0_i32 : i32, i32
  }
  func.func @transform_3(%arg0: i32) -> (i32, i32) {
    %c0_i32 = arith.constant 0 : i32
    %c0_i32_0 = arith.constant 0 : i32
    %c0_i32_1 = arith.constant 0 : i32
    return %c0_i32, %c0_i32_0 : i32, i32
  }
  func.func @transform_4(%arg0: i32) -> (i32, i32) {
    %c0_i32 = arith.constant 0 : i32
    %c0_i32_0 = arith.constant 0 : i32
    %c0_i32_1 = arith.constant 0 : i32
    return %c0_i32, %c0_i32_0 : i32, i32
  }
}

module attributes {stable_mosaic.version = 14 : i64} {
  func.func @_combine_body(%arg0: memref<32x32xf32, #tpu.memory_space<vmem>>, %arg1: memref<1x128xf32, #tpu.memory_space<vmem>>, %arg2: memref<1x128xf32, #tpu.memory_space<vmem>>, %arg3: memref<1x16xf32, #tpu.memory_space<vmem>>) attributes {dimension_semantics = [], scalar_prefetch = 0 : i64, scratch_operands = 0 : i64, tpu.core_type = #tpu.core_type<tc>} {
    %get3A = arith.constant 0 : index
    %get3A_0 = arith.constant 0 : index
    %get3A_1 = vector.load %arg0[%get3A, %get3A_0] : memref<32x32xf32, #tpu.memory_space<vmem>>, vector<32x16xf32>
    %reduce_sum3A = vector.shape_cast %get3A_1 : vector<32x16xf32> to vector<1x32x16xf32>
    %reduce_sum3A_2 = arith.constant dense<0.000000e+00> : vector<1xf32>
    %reduce_sum3A_3 = vector.multi_reduction <add>, %reduce_sum3A, %reduce_sum3A_2 [1, 2] : vector<1x32x16xf32> to vector<1xf32>
    %reduce_sum3A_4 = vector.shape_cast %reduce_sum3A_3 : vector<1xf32> to vector<1x1x1xf32>
    %reduce_sum3A_5 = vector.extract %reduce_sum3A_4[0, 0, 0] : f32 from vector<1x1x1xf32>
    %get3A_6 = arith.constant 0 : index
    %get3A_7 = arith.constant 0 : index
    %get3A_8 = vector.load %arg1[%get3A_6, %get3A_7] : memref<1x128xf32, #tpu.memory_space<vmem>>, vector<1x128xf32>
    %reduce_sum3A_9 = vector.shape_cast %get3A_8 : vector<1x128xf32> to vector<1x1x128xf32>
    %reduce_sum3A_10 = arith.constant dense<0.000000e+00> : vector<1xf32>
    %reduce_sum3A_11 = vector.multi_reduction <add>, %reduce_sum3A_9, %reduce_sum3A_10 [1, 2] : vector<1x1x128xf32> to vector<1xf32>
    %reduce_sum3A_12 = vector.shape_cast %reduce_sum3A_11 : vector<1xf32> to vector<1x1x1xf32>
    %reduce_sum3A_13 = vector.extract %reduce_sum3A_12[0, 0, 0] : f32 from vector<1x1x1xf32>
    %add3A = arith.addf %reduce_sum3A_5, %reduce_sum3A_13 : f32
    %get3A_14 = arith.constant 0 : index
    %get3A_15 = arith.constant 16 : index
    %get3A_16 = vector.load %arg0[%get3A_14, %get3A_15] : memref<32x32xf32, #tpu.memory_space<vmem>>, vector<32x16xf32>
    %reduce_sum3A_17 = vector.shape_cast %get3A_16 : vector<32x16xf32> to vector<1x32x16xf32>
    %reduce_sum3A_18 = arith.constant dense<0.000000e+00> : vector<1xf32>
    %reduce_sum3A_19 = vector.multi_reduction <add>, %reduce_sum3A_17, %reduce_sum3A_18 [1, 2] : vector<1x32x16xf32> to vector<1xf32>
    %reduce_sum3A_20 = vector.shape_cast %reduce_sum3A_19 : vector<1xf32> to vector<1x1x1xf32>
    %reduce_sum3A_21 = vector.extract %reduce_sum3A_20[0, 0, 0] : f32 from vector<1x1x1xf32>
    %get3A_22 = arith.constant 0 : index
    %get3A_23 = arith.constant 0 : index
    %get3A_24 = vector.load %arg2[%get3A_22, %get3A_23] : memref<1x128xf32, #tpu.memory_space<vmem>>, vector<1x128xf32>
    %reduce_sum3A_25 = vector.shape_cast %get3A_24 : vector<1x128xf32> to vector<1x1x128xf32>
    %reduce_sum3A_26 = arith.constant dense<0.000000e+00> : vector<1xf32>
    %reduce_sum3A_27 = vector.multi_reduction <add>, %reduce_sum3A_25, %reduce_sum3A_26 [1, 2] : vector<1x1x128xf32> to vector<1xf32>
    %reduce_sum3A_28 = vector.shape_cast %reduce_sum3A_27 : vector<1xf32> to vector<1x1x1xf32>
    %reduce_sum3A_29 = vector.extract %reduce_sum3A_28[0, 0, 0] : f32 from vector<1x1x1xf32>
    %add3A_30 = arith.addf %reduce_sum3A_21, %reduce_sum3A_29 : f32
    %mul3A = arith.constant 2.000000e+00 : f32
    %mul3A_31 = arith.mulf %add3A_30, %mul3A : f32
    %add3A_32 = arith.constant 9.99999974E-5 : f32
    %add3A_33 = arith.addf %mul3A_31, %add3A_32 : f32
    %div3A = arith.divf %add3A, %add3A_33 : f32
    %broadcast_in_dim3A = vector.broadcast %div3A : f32 to vector<1x16xf32>
    %swap3A = arith.constant 0 : index
    %swap3A_34 = arith.constant 0 : index
    %swap3A_35 = vector.load %arg3[%swap3A, %swap3A_34] : memref<1x16xf32, #tpu.memory_space<vmem>>, vector<1x16xf32>
    tpu.vector_store %arg3[%swap3A, %swap3A_34], %broadcast_in_dim3A {strides = array<i32>} : memref<1x16xf32, #tpu.memory_space<vmem>>, vector<1x16xf32>,
    return
  }
}

</mosaic_0001>

<sc_bundles>
// kernel: _masked_l1.5.cloned.1.call-start
scs
__scs_entry_jumppad:
0x0: {  	(pc) =	sbr.rel $0x88, $3  }
0x1: {  	(tag) =	ssettag $0x0;
	lr =	simm.s32 $0x1  }
0x2: {  	[smem:$0x3F9E] =	sst lr;
	_ =	strace $0xD0000000  }
0x3: {  	_ = 	snop  }
0x4: {  	_ = 	snop  }
0x5: {  	_ = 	snop  }
0x6: {  	_ = 	snop  }
0x7: {  	_ = 	snop  }
__scs_overlays_trampoline_lowered:
0x8: {  	[smem:$0x3FAD] =	sst s0  }
0x9: {  	[smem:$0x3FAE] =	sst s1  }
0xa: {  	[smem:$0x3FAF] =	sst s2  }
0xb: {  	[smem:$0x3FB0] =	sst s3  }
0xc: {  	[smem:$0x3FB1] =	sst s4  }
0xd: {  	[smem:$0x3FB2] =	sst s5  }
0xe: {  	[smem:$0x3FB3] =	sst s6  }
0xf: {  	[smem:$0x3FB4] =	sst s7  }
0x10: {  	[smem:$0x3FB5] =	sst s8  }
0x11: {  	[smem:$0x3FB6] =	sst s9;
	s0 =	simm.s32 @!p0 $0x0  }
0x12: {  	s1 =	sld [smem:$0x3F9C];
	s0 =	simm.s32 @p0 $0x1  }
0x13: {  	[smem:$0x3FB7] =	sst s0;
	s0 =	simm.s32 @!p1 $0x0  }
0x14: {  	s2 =	sld [smem:$0x3F9B];
	s0 =	simm.s32 @p1 $0x1  }
0x15: {  	[smem:$0x3FB8] =	sst s0;
	s0 =	simm.s32 @!p2 $0x0  }
0x16: {  	s3 =	sld [smem:$0x3FDB];
	s0 =	simm.s32 @p2 $0x1  }
0x17: {  	s4 =	simm.s32 $0x1BF5;
	[smem:$0x3FBA] =	sst s0  }
0x18: {  	s0 =	sld [smem:$0x3F9D];
	_ =	swait.ge [sflag:s4], $0x0  }
0x19: {  	s7 =	sld [smem:$0x3F9E]  }
0x1a: {  	s8 =	sadd.s32 $0xFFFFE003, lr  }
0x1b: {  	s9 =	sadd.s32 $0xFFFFFEF7, lr;
	s5 =	simm.s32 $0xFFFFFFFF;
	p2 =	slt.u32 s8, $0xFFFFF086  }
0x1c: {  	p1 =	slt.u32 s9, $0xF7A;
	s5 =	simm.s32 @!p2 $0x0  }
0x1d: {  	s5 =	simm.s32 @p1 $0x1;
	p0 =	seq.s32 s7, s2  }
0x1e: {  	s7 =	smul.u32 @!p0 $0xF7A, s2;
	p2 =	seq.s32 @!p0 s5, $0x0  }
0x1f: {  	s9 =	smul.u32 $0xF7A, s1;
	s8 =	simm.s32 @!p0 $0x1BF5;
	p2 =	por !p2, p0  }
0x20: {  	[sflag:s8] =	ssyncset.s32 @!p0 $0xFFFFF086;
	s6 =	sadd.s32 @!p0 s3, s7;
	s7 =	simm.s32 @!p0 $0x108  }
0x21: {  	s3 =	sadd.s32 s3, s9;
	s6 =	sadd.s32 @!p0 $0x88, s6;
	s7 =	simm.s32 @p2 $0x1082  }
0x22: {  	[simem:s7], [sflag:s8] =	dma.local @!p0 [hbm:s6], $0xF7A  }
0x23: {  	s9 =	sor.u32 $0xD0000000, s2;
	s6 =	simm.s32 $0x108;
	_ =	swait.ge @!p0 [sflag:s8], $0x0  }
0x24: {  	s3 =	sadd.s32 $0x88, s3;
	s6 =	simm.s32 @!p1 $0x1082;
	[sflag:s4] =	ssyncset.s32 $0xFFFFF086  }
0x25: {  	[simem:s6], [sflag:s4] =	dma.local [hbm:s3], $0xF7A  }
0x26: {  	[smem:$0x3F9E] =	sst s1;
	(tag) =	ssettag s2;
	_ =	strace s9  }
0x27: {  	s1 =	sld [smem:$0x3FAE]  }
0x28: {  	s2 =	sld [smem:$0x3FAF]  }
0x29: {  	s4 =	sld [smem:$0x3FB1]  }
0x2a: {  	p0 =	seq.s32 s5, $0x0;
	s5 =	sld [smem:$0x3FB2]  }
0x2b: {  	s6 =	sld [smem:$0x3FB3]  }
0x2c: {  	s7 =	sld [smem:$0x3FB4]  }
0x2d: {  	s3 =	simm.s32 $0x108;
	s8 =	sld [smem:$0x3FB5]  }
0x2e: {  	s3 =	simm.s32 @!p0 $0x1082;
	s9 =	sld [smem:$0x3FB6]  }
0x2f: {  	lr =	sadd.s32 s0, s3;
	s0 =	sld [smem:$0x3FAD]  }
0x30: {  	s3 =	sld [smem:$0x3FB0]  }
0x31: {  	[smem:$0x3FB9] =	sst s10  }
0x32: {  	s10 =	sld [smem:$0x3FB7];
	_ =	sdelay $0x3  }
0x33: {  	p0 =	seq.s32 s10, $0x1;
	s10 =	sld [smem:$0x3FB9];
	_ =	sdelay $0x3  }
0x34: {  	[smem:$0x3FB9] =	sst s10  }
0x35: {  	s10 =	sld [smem:$0x3FB8];
	_ =	sdelay $0x3  }
0x36: {  	p1 =	seq.s32 s10, $0x1;
	s10 =	sld [smem:$0x3FB9];
	_ =	sdelay $0x3  }
0x37: {  	[smem:$0x3FB9] =	sst s10  }
0x38: {  	s10 =	sld [smem:$0x3FBA]  }
0x39: {  	_ = 	snop;
	(pc) =	sbr.ind lr, $3  }
0x3a: {  	_ = 	snop  }
0x3b: {  	_ = 	snop  }
0x3c: {  	p2 =	seq.s32 s10, $0x1;
	s10 =	sld [smem:$0x3FB9]  }
0x3d: {  	_ =	shalt  }
0x3e: {  	_ =	shalt  }
0x3f: {  	_ =	shalt  }
0x40: {  	_ =	shalt  }
0x41: {  	_ =	shalt  }
0x42: {  	_ =	shalt  }
0x43: {  	_ =	shalt  }
0x44: {  	_ =	shalt  }
0x45: {  	_ =	shalt  }
0x46: {  	_ =	shalt  }
0x47: {  	_ =	shalt  }
0x48: {  	_ =	shalt  }
0x49: {  	_ =	shalt  }
0x4a: {  	_ =	shalt  }
0x4b: {  	_ =	shalt  }
0x4c: {  	_ =	shalt  }
0x4d: {  	_ =	shalt  }
0x4e: {  	_ =	shalt  }
0x4f: {  	_ =	shalt  }
0x50: {  	_ =	shalt  }
0x51: {  	_ =	shalt  }
0x52: {  	_ =	shalt  }
0x53: {  	_ =	shalt  }
0x54: {  	_ =	shalt  }
0x55: {  	_ =	shalt  }
0x56: {  	_ =	shalt  }
0x57: {  	_ =	shalt  }
0x58: {  	_ =	shalt  }
0x59: {  	_ =	shalt  }
0x5a: {  	_ =	shalt  }
0x5b: {  	_ =	shalt  }
0x5c: {  	_ =	shalt  }
0x5d: {  	_ =	shalt  }
0x5e: {  	_ =	shalt  }
0x5f: {  	_ =	shalt  }
0x60: {  	_ =	shalt  }
0x61: {  	_ =	shalt  }
0x62: {  	_ =	shalt  }
0x63: {  	_ =	shalt  }
0x64: {  	_ =	shalt  }
0x65: {  	_ =	shalt  }
0x66: {  	_ =	shalt  }
0x67: {  	_ =	shalt  }
0x68: {  	_ =	shalt  }
0x69: {  	_ =	shalt  }
0x6a: {  	_ =	shalt  }
0x6b: {  	_ =	shalt  }
0x6c: {  	_ =	shalt  }
0x6d: {  	_ =	shalt  }
0x6e: {  	_ =	shalt  }
0x6f: {  	_ =	shalt  }
0x70: {  	_ =	shalt  }
0x71: {  	_ =	shalt  }
0x72: {  	_ =	shalt  }
0x73: {  	_ =	shalt  }
0x74: {  	_ =	shalt  }
0x75: {  	_ =	shalt  }
0x76: {  	_ =	shalt  }
0x77: {  	_ =	shalt  }
0x78: {  	_ =	shalt  }
0x79: {  	_ =	shalt  }
0x7a: {  	_ =	shalt  }
0x7b: {  	_ =	shalt  }
0x7c: {  	_ =	shalt  }
0x7d: {  	_ =	shalt  }
0x7e: {  	_ =	shalt  }
0x7f: {  	_ =	shalt  }
0x80: {  	_ =	shalt  }
0x81: {  	_ =	shalt  }
0x82: {  	_ =	shalt  }
0x83: {  	_ =	shalt  }
0x84: {  	_ =	shalt  }
0x85: {  	_ =	shalt  }
0x86: {  	_ =	shalt  }
0x87: {  	_ =	shalt  }
.Lfunc_end0:
.L_simem_size_0:
called_computation_lowered:
.L_overlay_start_0:
0x88: {  	s2 =	sld [smem:$0x3FD9]  }
0x89: {  	s3 =	sld [smem:$0x3FFE];
	_ =	sdelay $0x1  }
0x8a: {  	s1 =	srdreg.scid  }
0x8b: {  	s0 =	sand.u32 $0x1, s1  }
0x8c: {  	s17 =	sshll.u32 s0, $0xA;
	s2 =	sadd.s32 s3, s2  }
0x8d: {  	s2 =	sadd.s32 s2, s17  }
0x8e: {  	[smem:$0x3FC5] =	sst s2  }
0x8f: {  	_ = 	snop  }
0x90: {  	s2 =	sld [smem:$0x3FC9]  }
0x91: {  	s18 =	sld [smem:$0x3FC8]  }
0x92: {  	s4 =	sld [smem:$0x3FC7];
	(tm) =	ssettm $0x1  }
0x93: {  	s5 =	sld [smem:$0x3FFB];
	_ =	sdelay $0x3  }
0x94: {  	_ =	strace s5  }
0x95: {  	s5 =	sld [smem:$0x3FFC];
	_ =	sdelay $0x3  }
0x96: {  	_ =	strace s5  }
0x97: {  	s5 =	sld [smem:$0x3FFD];
	_ =	sdelay $0x3  }
0x98: {  	_ =	strace s5  }
0x99: {  	_ =	strace $0x8FFFFFFF  }
0x9a: {  	s19 =	sld [smem:$0x3FDB];
	_ =	sdelay $0x1  }
0x9b: {  	s6 =	simm.s32 $_scs_section_size  }
0x9c: {  	s7 =	simm.s32 $_size__tile_overlayer_lowered;
	s8 =	simm.s32 $_tile_overlayer_lowered  }
0x9d: {  	s22 =	simm.s32 $0x1BFF;
	s21 =	sshll.u32 s8, $0x1;
	s5 =	sadd.s32 s6, s19  }
0x9e: {  	s9 =	simm.s32 $0x0;
	s20 =	sshll.u32 s7, $0x1;
	s7 =	sadd.s32 s21, s5  }
0x9f: {  	[timem:s9], [sflag:s22] =	dma.local [hbm:s7], s20  }
0xa0: {  	_ =	swait.ge [sflag:s22], s20  }
0xa1: {  	s6 =	ssub.s32 $0x0, s20;
	[sflag:s22] =	ssyncset.done $0x0  }
0xa2: {  	[sflag:s22] =	ssyncadd.s32 s6;
	_ =	sdelay $0x1  }
0xa3: {  	s23 =	simm.s32 $0x1B8B  }
0xa4: {  	_ =	swait.ge [sflag:s23], $0x1  }
0xa5: {  	[sflag:s23] =	ssyncset.done $0x0  }
0xa6: {  	s25 =	simm.s32 $0x1B8E;
	s24 =	sld [smem:$0x3FFE];
	[sflag:s23] =	ssyncadd.s32 $0xFFFFFFFF  }
0xa7: {  	s26 =	simm.s32 $execute0_lowered;
	[smem:$0x3FD2] =	sst s25  }
0xa8: {  	s7 =	sshll.u32 s26, $0x1;
	_ =	strace $0x80000046;
	[dreg:$0x1] =	wrdreg $0xFFFFFFFF  }
0xa9: {  	s28 =	simm.s32 $_size_execute0_lowered;
	s5 =	sadd.s32 s5, s7;
	[dreg:$0x0] =	wrdreg $0x0  }
0xaa: {  	s7 =	sshll.u32 s28, $0x1;
	[dreg:$0x2] =	wrdreg s5  }
0xab: {  	[dreg:$0x3] =	wrdreg s7  }
0xac: {  	[dreg:$0x4] =	wrdreg $0xC0  }
0xad: {  	_ =	task [dreg:s9], $0x5FFFF  }
0xae: {  	[dreg:$0x1] =	wrdreg $0xFFFFFFFF  }
0xaf: {  	[dreg:$0x0] =	wrdreg $0x60  }
0xb0: {  	[dreg:$0x2] =	wrdreg s2  }
0xb1: {  	[dreg:$0x3] =	wrdreg s18  }
0xb2: {  	[dreg:$0x4] =	wrdreg s4  }
0xb3: {  	[dreg:$0x5] =	wrdreg s24  }
0xb4: {  	[dreg:$0x6] =	wrdreg $0x9  }
0xb5: {  	_ =	task.clear_ibuf [dreg:s9], $0x7FFFF;
	_ =	strace $0x90000046  }
0xb6: {  	s29 =	simm.s32 $0x9;
	_ =	strace $0x80000048  }
0xb7: {  	_ =	swait.ge [sflag:s29], $0x1  }
0xb8: {  	[sflag:s29] =	ssyncadd.s32 $0xFFFFFFFF  }
0xb9: {  	_ =	strace $0x90000048  }
0xba: {  	_ =	sfence  }
0xbb: {  	s30 =	sld [smem:$0x0];
	_ =	sdelay $0x2  }
0xbc: {  	s31 =	sshll.u32 s1, $0xD;
	s1 =	sshrl.u32 s1, $0x2  }
0xbd: {  	s3 =	sand.u32 $0x4000, s31;
	s1 =	sadd.s32 s1, s30  }
0xbe: {  	s0 =	sor.u32 s3, s0;
	s1 =	sshll.u32 s1, $0x11  }
0xbf: {  	s0 =	sor.u32 s1, s0  }
0xc0: {  	s0 =	sadd.s32 $0x8F2B, s0  }
0xc1: {  	[sflag:s0] =	ssyncadd.remote.s32 $0x1  }
0xc2: {  	_ =	sfence.sel $0xFFFF  }
0xc3: {  	[dreg:$0x0] =	wrdreg $0xFFFFFFFF;
	(pc) =	sbr.abs _section_cstart, $3  }
0xc4: {  	[dreg:$0x1] =	wrdreg $0xFFFFFFFF  }
0xc5: {  	_ =	task.clear_ibuf [dreg:s9], $0x2FFFF;
	_ =	strace $0x9FFFFFFF  }
0xc6: {  	(tm) =	ssettm $0x7FFFFFFF  }
0xc7: {  	_ =	shalt  }
tec
execute0_lowered:
.L_overlay_start_1:
0x0: {  	(tag) =	ssettag $0x1  }
0x1: {  	s1 =	rddreg [dreg:$0x0]  }
0x2: {  	s2 =	rddreg [dreg:$0x1]  }
0x3: {  	s3 =	rddreg [dreg:$0x2]  }
0x4: {  	s0 =	rddreg [dreg:$0x3]  }
0x5: {  	s4 =	srdreg.scid;
	s5 =	simm.s32 $0x0;
	s7 =	stileid.u32  }
0x6: {  	s16 =	simm.s32 $0x1900;
	s17 =	simm.s32 $0x4B00;
	s18 =	simm.s32 $0xC80  }
0x7: {  	s19 =	simm.s32 $0x3200;
	s20 =	simm.s32 $0x6400;
	s21 =	simm.s32 $0x1  }
0x8: {  	s22 =	simm.s32 $0x3;
	s23 =	simm.s32 $0x5;
	s24 =	simm.s32 $0x2  }
0x9: {  	s25 =	simm.s32 $0x4;
	s29 =	simm.s32 $0x7;
	s4 =	sand.u32 $0x1, s4  }
0xa: {  	s30 =	simm.s32 $0x0;
	[smem:$0x7FF] =	sst s5;
	s6 =	sshll.u32 s4, $0x4  }
0xb: {  	_ =	strace $0x80000047;
	s4 =	ssub.s32 $0x2, s4;
	s9 =	sor.u32 s7, s6  }
0xc: {  	s7 =	sshll.u32 s7, $0x4;
	s10 =	sshrl.u32 s4, $0x1;
	s6 =	smul.u32 $0xBB80, s9  }
0xd: {  	s8 =	sand.u32 $0x70, s7;
	s7 =	smul.u32 $0x17700, s9;
	s9 =	sshll.u32 s9, $0x4  }
0xe: {  	s4 =	ssub.s32 s4, s10;
	s0 =	sadd.s32 s8, s0;
	s9 =	sand.u32 $0x180, s9  }
0xf: {  	s15 =	smax.u32 s4, $0x1;
	s26 =	sshrl.u32 s6, $0x3;
	s12 =	sshrl.u32 s7, $0x3  }
0x10: {  	s0 =	sadd.s32 s9, s0;
	s8 =	sadd.s32 s3, s26;
	s28 =	sadd.s32 s1, s12  }
0x11: {  	s31 =	sadd.s32 s2, s12;
	s13 =	sadd.s32 $0x320, s12;
	[dreg:$0x5] =	wrdreg s28  }
0x12: {  	s14 =	sadd.s32 $0xA00, s0;
	s26 =	simm.s32 $0x6;
	[dreg:$0x6] =	wrdreg s31  }
0x13: {  	s11 =	sadd.s32 $0x190, s8;
	s12 =	sadd.s32 s1, s13;
	s13 =	sadd.s32 s2, s13  }
.LBB2_1:
0x14: {  	[tilespmem:s5], [sflag:$0x1] =	stream.linear.gather [hbm4b:s8+s5], $0xC80, $0x38;
	[tilespmem:$0x7D80] =	vst v63  }
0x15: {  	s0 =	rddreg [dreg:$0x5]  }
0x16: {  	[tilespmem:s16], [sflag:$0x3] =	stream.linear.gather [hbm4b:s0+s5], $0x1900, $0x38;
	[tilespmem:$0x7D80] =	vst v63  }
0x17: {  	s28 =	rddreg [dreg:$0x6]  }
0x18: {  	[tilespmem:s17], [sflag:$0x5] =	stream.linear.gather [hbm4b:s28+s5], $0x1900, $0x38;
	[tilespmem:$0x7D80] =	vst v63  }
0x19: {  	_ = 	snop  }
0x1a: {  	[tilespmem:s18], [sflag:$0x2] =	stream.linear.gather [hbm4b:s11+s5], $0xC80, $0x38;
	[tilespmem:$0x7D80] =	vst v63  }
0x1b: {  	_ = 	snop  }
0x1c: {  	[tilespmem:s19], [sflag:$0x4] =	stream.linear.gather [hbm4b:s12+s5], $0x1900, $0x38;
	[tilespmem:$0x7D80] =	vst v63  }
0x1d: {  	s31 =	simm.s32 $0x0  }
0x1e: {  	v0 =	vimm.f32 $0.0e+00;
	v1 =	vimm.f32 $0.0e+00;
	[tilespmem:s20], [sflag:$0x6] =	stream.linear.gather [hbm4b:s13+s5], $0x1900, $0x38;
	[tilespmem:$0x7D80] =	vst v63  }
.LBB2_2:
0x1f: {  	_ =	swait.ge [sflag:s21], $0xC80  }
0x20: {  	[sflag:s21] =	ssyncset.done $0x0  }
0x21: {  	[sflag:s21] =	ssyncadd.s32 $0xFFFFF380  }
0x22: {  	_ =	swait.ge [sflag:s22], $0x1900  }
0x23: {  	[sflag:s22] =	ssyncset.done $0x0  }
0x24: {  	[sflag:s22] =	ssyncadd.s32 $0xFFFFE700  }
0x25: {  	_ =	swait.ge [sflag:s23], $0x1900  }
0x26: {  	[sflag:s23] =	ssyncset.done $0x0  }
0x27: {  	s4 =	simm.s32 $0x40;
	[sflag:s23] =	ssyncadd.s32 $0xFFFFE700  }
0x28: {  	v2 =	vld [tilespmem:s4+$0x20]  }
0x29: {  	s28 =	simm.s32 $0xF0;
	v3 =	vld [tilespmem:s4+$0x10]  }
0x2a: {  	v8 =	vld [tilespmem:s28+$0x1880]  }
0x2b: {  	v13 =	vld [tilespmem:s28+$0x4A80]  }
0x2c: {  	v14 =	vld [tilespmem:s28+$0x1900]  }
0x2d: {  	v15 =	vld [tilespmem:s28+$0x4B00]  }
0x2e: {  	v6 =	vld [tilespmem:s4+$0x0]  }
0x2f: {  	v16 =	vld [tilespmem:s28+$0x1870]  }
0x30: {  	v17 =	vld [tilespmem:s28+$0x4A70]  }
0x31: {  	v19 =	vld [tilespmem:s28+$0x18F0]  }
0x32: {  	v20 =	vld [tilespmem:s28+$0x4AF0]  }
0x33: {  	v12 =	vld [tilespmem:s4+$0xFFFFFFF0]  }
0x34: {  	v21 =	vld [tilespmem:s28+$0x1860]  }
0x35: {  	v22 =	vld [tilespmem:s28+$0x4A60]  }
0x36: {  	v23 =	vld [tilespmem:s28+$0x18E0]  }
0x37: {  	v28 =	vld [tilespmem:s28+$0x4AE0]  }
0x38: {  	v18 =	vld [tilespmem:s4+$0xFFFFFFE0]  }
0x39: {  	v30 =	vld [tilespmem:s28+$0x1850]  }
0x3a: {  	v31 =	vld [tilespmem:s28+$0x4A50]  }
0x3b: {  	v24 =	vld [tilespmem:s28+$0x18D0]  }
0x3c: {  	v25 =	vld [tilespmem:s28+$0x4AD0]  }
0x3d: {  	v26 =	vld [tilespmem:s4+$0xFFFFFFD0]  }
0x3e: {  	v34 =	vld [tilespmem:s28+$0x1840]  }
0x3f: {  	v35 =	vld [tilespmem:s28+$0x4A40]  }
0x40: {  	v36 =	vld [tilespmem:s28+$0x18C0]  }
0x41: {  	v38 =	vld [tilespmem:s28+$0x4AC0]  }
0x42: {  	v27 =	vld [tilespmem:s4+$0xFFFFFFC0]  }
0x43: {  	v32 =	vld [tilespmem:s28+$0x1830]  }
0x44: {  	v33 =	vld [tilespmem:s28+$0x4A30]  }
0x45: {  	v29 =	vld [tilespmem:s28+$0x18B0]  }
0x46: {  	v37 =	vld [tilespmem:s28+$0x1820]  }
0x47: {  	v39 =	vld [tilespmem:s28+$0x4A20]  }
0x48: {  	v40 =	vld [tilespmem:s28+$0x1810]  }
0x49: {  	v41 =	vld [tilespmem:s28+$0x4A10]  }
0x4a: {  	s0 =	simm.s32 $0x7C0;
	v42 =	vld [tilespmem:s28+$0x1890]  }
.LBB2_3:
0x4b: {  	p0 =	sne.s32 s0, $0x63C0;
	v4 =	vld [tilespmem:s28+$0x4A90];
	v5 =	vsub.f32 v8, v13;
	v7 =	vsub.f32 v14, v15  }
0x4c: {  	v10 =	vcvt.s32.f32 v2;
	v11 =	vsub.f32 v16, v17;
	v43 =	vsub.f32 v19, v20;
	v9 =	vld [tilespmem:s28+$0x18A0]  }
0x4d: {  	v44 =	vcvt.s32.f32 v3;
	v21 =	vsub.f32 v21, v22;
	v22 =	vsub.f32 v23, v28;
	v13 =	vld [tilespmem:s28+$0x4AA0]  }
0x4e: {  	v45 =	vcvt.s32.f32 v6;
	v19 =	vsub.f32 v30, v31;
	v20 =	vsub.f32 v24, v25;
	v14 =	vld [tilespmem:s28+$0x4AB0]  }
0x4f: {  	v23 =	vcvt.s32.f32 v12;
	v12 =	vsub.f32 v34, v35;
	v16 =	vsub.f32 v36, v38;
	v24 =	vld [tilespmem:s4+$0x30];
	s4 =	sadd.s32 $0x80, s4  }
0x50: {  	v18 =	vcvt.s32.f32 v18;
	v6 =	vsub.f32 v40, v41;
	v2 =	vld [tilespmem:s4+$0x20];
	v4 =	vsub.f32 v42, v4  }
0x51: {  	v25 =	vcvt.s32.f32 v26;
	v17 =	vsub.f32 v32, v33;
	v15 =	vsub.f32 v37, v39;
	s28 =	sshra.s32 s0, $0x2;
	v3 =	vld [tilespmem:s4+$0x10]  }
0x52: {  	v6 =	vand.u32 $0x7FFFFFFF, v6;
	v8 =	vld [tilespmem:s28+$0x1880];
	v4 =	vand.u32 $0x7FFFFFFF, v4;
	v9 =	vsub.f32 v9, v13  }
0x53: {  	v26 =	vcvt.s32.f32 v27;
	v13 =	vld [tilespmem:s28+$0x4A80];
	v4 =	vadd.f32 v4, v6;
	v6 =	vsub.f32 v29, v14  }
0x54: {  	v17 =	vand.u32 $0x7FFFFFFF, v17;
	v27 =	vand.u32 $0x7FFFFFFF, v15;
	v14 =	vld [tilespmem:s28+$0x1900];
	v9 =	vand.u32 $0x7FFFFFFF, v9  }
0x55: {  	v15 =	vld [tilespmem:s28+$0x4B00];
	v4 =	vmul.f32 v26, v4;
	v9 =	vadd.f32 v9, v27;
	v27 =	vand.u32 $0x7FFFFFFF, v6  }
0x56: {  	v12 =	vand.u32 $0x7FFFFFFF, v12;
	v28 =	vand.u32 $0x7FFFFFFF, v16;
	v6 =	vld [tilespmem:s4+$0x0];
	v27 =	vadd.f32 v27, v17  }
0x57: {  	v0 =	vadd.f32 v26, v0;
	v16 =	vld [tilespmem:s28+$0x1870];
	v1 =	vadd.f32 v4, v1;
	v4 =	vmul.f32 v25, v9  }
0x58: {  	v26 =	vand.u32 $0x7FFFFFFF, v20;
	v9 =	vadd.f32 v28, v12;
	v12 =	vand.u32 $0x7FFFFFFF, v19;
	v17 =	vld [tilespmem:s28+$0x4A70]  }
0x59: {  	v0 =	vadd.f32 v25, v0;
	v19 =	vld [tilespmem:s28+$0x18F0];
	v1 =	vadd.f32 v4, v1;
	v4 =	vmul.f32 v18, v27  }
0x5a: {  	v22 =	vand.u32 $0x7FFFFFFF, v22;
	v25 =	vadd.f32 v26, v12;
	v26 =	vand.u32 $0x7FFFFFFF, v21;
	v20 =	vld [tilespmem:s28+$0x4AF0]  }
0x5b: {  	v0 =	vadd.f32 v18, v0;
	v12 =	vld [tilespmem:s4+$0xFFFFFFF0];
	v1 =	vadd.f32 v4, v1;
	v4 =	vmul.f32 v23, v9  }
0x5c: {  	v11 =	vand.u32 $0x7FFFFFFF, v11;
	v18 =	vand.u32 $0x7FFFFFFF, v43;
	v9 =	vadd.f32 v22, v26;
	v21 =	vld [tilespmem:s28+$0x1860]  }
0x5d: {  	v0 =	vadd.f32 v23, v0;
	v22 =	vld [tilespmem:s28+$0x4A60];
	v1 =	vadd.f32 v4, v1;
	v4 =	vmul.f32 v45, v25  }
0x5e: {  	v5 =	vand.u32 $0x7FFFFFFF, v5;
	v7 =	vand.u32 $0x7FFFFFFF, v7;
	v11 =	vadd.f32 v18, v11;
	v23 =	vld [tilespmem:s28+$0x18E0]  }
0x5f: {  	v0 =	vadd.f32 v45, v0;
	v28 =	vld [tilespmem:s28+$0x4AE0];
	v1 =	vadd.f32 v4, v1;
	v4 =	vmul.f32 v44, v9  }
0x60: {  	v5 =	vadd.f32 v7, v5;
	v9 =	vcvt.s32.f32 v24;
	v18 =	vld [tilespmem:s4+$0xFFFFFFE0]  }
0x61: {  	v0 =	vadd.f32 v44, v0;
	v30 =	vld [tilespmem:s28+$0x1850];
	v1 =	vadd.f32 v4, v1;
	v4 =	vmul.f32 v10, v11  }
0x62: {  	v31 =	vld [tilespmem:s28+$0x4A50]  }
0x63: {  	v0 =	vadd.f32 v10, v0;
	v24 =	vld [tilespmem:s28+$0x18D0];
	v1 =	vadd.f32 v4, v1;
	v4 =	vmul.f32 v9, v5  }
0x64: {  	v25 =	vld [tilespmem:s28+$0x4AD0]  }
0x65: {  	v0 =	vadd.f32 v9, v0;
	v26 =	vld [tilespmem:s4+$0xFFFFFFD0];
	v1 =	vadd.f32 v4, v1  }
0x66: {  	v34 =	vld [tilespmem:s28+$0x1840]  }
0x67: {  	v35 =	vld [tilespmem:s28+$0x4A40]  }
0x68: {  	v36 =	vld [tilespmem:s28+$0x18C0]  }
0x69: {  	v38 =	vld [tilespmem:s28+$0x4AC0]  }
0x6a: {  	v27 =	vld [tilespmem:s4+$0xFFFFFFC0]  }
0x6b: {  	v32 =	vld [tilespmem:s28+$0x1830]  }
0x6c: {  	v33 =	vld [tilespmem:s28+$0x4A30]  }
0x6d: {  	v29 =	vld [tilespmem:s28+$0x18B0]  }
.Ltmp0:
0x6e: {  	v37 =	vld [tilespmem:s28+$0x1820];
	(pc) =	sbr.rel @p0 .LBB2_3-.Ltmp0, $4  }
0x6f: {  	v39 =	vld [tilespmem:s28+$0x4A20]  }
0x70: {  	v40 =	vld [tilespmem:s28+$0x1810]  }
0x71: {  	v41 =	vld [tilespmem:s28+$0x4A10]  }
0x72: {  	s0 =	sadd.s32 $0x400, s0;
	v42 =	vld [tilespmem:s28+$0x1890]  }
0x73: {  	s0 =	sshll.u32 s31, $0x1  }
0x74: {  	s9 =	sadd.s32 $0x2, s0  }
0x75: {  	s10 =	smul.u32 $0xC80, s9  }
0x76: {  	v43 =	vld [tilespmem:s28+$0x4A90];
	s9 =	smul.u32 $0x1900, s9  }
0x77: {  	v44 =	vld [tilespmem:s28+$0x18A0];
	s10 =	sadd.s32 s6, s10  }
0x78: {  	v45 =	vld [tilespmem:s28+$0x4AA0];
	s9 =	sadd.s32 s7, s9;
	s10 =	sshrl.u32 s10, $0x3  }
0x79: {  	v47 =	vld [tilespmem:s4+$0x30];
	s4 =	sshrl.u32 s9, $0x3;
	s10 =	sadd.s32 s3, s10  }
0x7a: {  	v46 =	vld [tilespmem:s28+$0x4AB0];
	[tilespmem:s5], [sflag:$0x1] =	stream.linear.gather [hbm4b:s10+s5], $0xC80, $0x38  }
0x7b: {  	s10 =	sadd.s32 s1, s4  }
0x7c: {  	[tilespmem:s16], [sflag:$0x3] =	stream.linear.gather [hbm4b:s10+s5], $0x1900, $0x38;
	[tilespmem:$0x7D80] =	vst v63  }
0x7d: {  	s4 =	sadd.s32 s2, s4  }
0x7e: {  	[tilespmem:s17], [sflag:$0x5] =	stream.linear.gather [hbm4b:s4+s5], $0x1900, $0x38;
	[tilespmem:$0x7D80] =	vst v63  }
0x7f: {  	_ =	swait.ge [sflag:s24], $0xC80  }
0x80: {  	[sflag:s24] =	ssyncset.done $0x0  }
0x81: {  	[sflag:s24] =	ssyncadd.s32 $0xFFFFF380  }
0x82: {  	_ =	swait.ge [sflag:s25], $0x1900  }
0x83: {  	[sflag:s25] =	ssyncset.done $0x0  }
0x84: {  	[sflag:s25] =	ssyncadd.s32 $0xFFFFE700  }
0x85: {  	_ =	swait.ge [sflag:s26], $0x1900  }
0x86: {  	[sflag:s26] =	ssyncset.done $0x0  }
0x87: {  	s4 =	simm.s32 $0xCC0;
	[sflag:s26] =	ssyncadd.s32 $0xFFFFE700  }
0x88: {  	v5 =	vld [tilespmem:s4+$0x20]  }
0x89: {  	s28 =	simm.s32 $0xF0;
	v4 =	vld [tilespmem:s4+$0x10]  }
0x8a: {  	v7 =	vld [tilespmem:s28+$0x3180]  }
0x8b: {  	v9 =	vld [tilespmem:s28+$0x6380]  }
0x8c: {  	v10 =	vld [tilespmem:s28+$0x3200]  }
0x8d: {  	v11 =	vld [tilespmem:s28+$0x6400]  }
0x8e: {  	v48 =	vsub.f32 v8, v13;
	v8 =	vld [tilespmem:s4+$0x0]  }
0x8f: {  	v49 =	vsub.f32 v14, v15;
	v13 =	vld [tilespmem:s28+$0x3170]  }
0x90: {  	v50 =	vsub.f32 v16, v17;
	v51 =	vsub.f32 v19, v20;
	v14 =	vld [tilespmem:s28+$0x6370]  }
0x91: {  	v52 =	vsub.f32 v21, v22;
	v28 =	vsub.f32 v23, v28;
	v16 =	vld [tilespmem:s28+$0x31F0]  }
0x92: {  	v30 =	vsub.f32 v30, v31;
	v31 =	vsub.f32 v34, v35;
	v17 =	vld [tilespmem:s28+$0x63F0]  }
0x93: {  	v27 =	vcvt.s32.f32 v27;
	v20 =	vsub.f32 v40, v41;
	v21 =	vsub.f32 v42, v43;
	v15 =	vld [tilespmem:s4+$0xFFFFFFF0]  }
0x94: {  	v63 =	vsub.f32 v36, v38;
	v53 =	vcvt.s32.f32 v12;
	v54 =	vcvt.s32.f32 v6;
	v19 =	vld [tilespmem:s28+$0x3160]  }
0x95: {  	v23 =	vsub.f32 v37, v39;
	v20 =	vand.u32 $0x7FFFFFFF, v20;
	v22 =	vand.u32 $0x7FFFFFFF, v21;
	v21 =	vld [tilespmem:s28+$0x6360]  }
0x96: {  	v58 =	vcvt.s32.f32 v3;
	v41 =	vcvt.s32.f32 v26;
	v20 =	vadd.f32 v22, v20;
	v22 =	vld [tilespmem:s28+$0x31E0]  }
0x97: {  	v26 =	vsub.f32 v32, v33;
	v42 =	vsub.f32 v44, v45;
	v43 =	vand.u32 $0x7FFFFFFF, v23;
	v23 =	vld [tilespmem:s28+$0x63E0]  }
0x98: {  	v0 =	vadd.f32 v27, v0;
	v29 =	vsub.f32 v29, v46;
	v44 =	vmul.f32 v27, v20;
	v20 =	vld [tilespmem:s4+$0xFFFFFFE0]  }
0x99: {  	v26 =	vand.u32 $0x7FFFFFFF, v26;
	v45 =	vsub.f32 v24, v25;
	v32 =	vand.u32 $0x7FFFFFFF, v42;
	v24 =	vld [tilespmem:s28+$0x3150]  }
0x9a: {  	v46 =	vcvt.s32.f32 v18;
	v29 =	vand.u32 $0x7FFFFFFF, v29;
	v32 =	vadd.f32 v32, v43;
	v25 =	vld [tilespmem:s28+$0x6350]  }
0x9b: {  	v29 =	vadd.f32 v29, v26;
	v26 =	vand.u32 $0x7FFFFFFF, v31;
	v31 =	vand.u32 $0x7FFFFFFF, v63;
	v18 =	vld [tilespmem:s28+$0x31D0]  }
0x9c: {  	v32 =	vmul.f32 v41, v32;
	v27 =	vadd.f32 v31, v26;
	v1 =	vadd.f32 v44, v1;
	v26 =	vld [tilespmem:s28+$0x63D0]  }
0x9d: {  	v59 =	vcvt.s32.f32 v2;
	v30 =	vand.u32 $0x7FFFFFFF, v30;
	v0 =	vadd.f32 v41, v0;
	v12 =	vld [tilespmem:s4+$0xFFFFFFD0]  }
0x9e: {  	v28 =	vand.u32 $0x7FFFFFFF, v28;
	v29 =	vmul.f32 v46, v29;
	v1 =	vadd.f32 v32, v1;
	v6 =	vld [tilespmem:s28+$0x3140]  }
0x9f: {  	v0 =	vadd.f32 v46, v0;
	v31 =	vand.u32 $0x7FFFFFFF, v45;
	v55 =	vmul.f32 v53, v27;
	v27 =	vld [tilespmem:s28+$0x6340]  }
0xa0: {  	v30 =	vadd.f32 v31, v30;
	v31 =	vand.u32 $0x7FFFFFFF, v52;
	v1 =	vadd.f32 v29, v1;
	v29 =	vld [tilespmem:s28+$0x31C0]  }
0xa1: {  	v57 =	vand.u32 $0x7FFFFFFF, v51;
	v0 =	vadd.f32 v53, v0;
	v56 =	vadd.f32 v28, v31;
	v31 =	vld [tilespmem:s28+$0x63C0]  }
0xa2: {  	v28 =	vand.u32 $0x7FFFFFFF, v50;
	v30 =	vmul.f32 v54, v30;
	v1 =	vadd.f32 v55, v1;
	v3 =	vld [tilespmem:s4+$0xFFFFFFC0]  }
0xa3: {  	v2 =	vand.u32 $0x7FFFFFFF, v48;
	v60 =	vand.u32 $0x7FFFFFFF, v49;
	v35 =	vadd.f32 v57, v28;
	v28 =	vld [tilespmem:s28+$0x3130]  }
0xa4: {  	v0 =	vadd.f32 v54, v0;
	v61 =	vmul.f32 v58, v56;
	v1 =	vadd.f32 v30, v1;
	v30 =	vld [tilespmem:s28+$0x6330]  }
0xa5: {  	v62 =	vcvt.s32.f32 v47;
	v63 =	vadd.f32 v60, v2;
	v2 =	vld [tilespmem:s28+$0x31B0]  }
0xa6: {  	v0 =	vadd.f32 v58, v0;
	v35 =	vmul.f32 v59, v35;
	v32 =	vld [tilespmem:s28+$0x3120];
	v1 =	vadd.f32 v61, v1  }
0xa7: {  	v33 =	vld [tilespmem:s28+$0x6320]  }
0xa8: {  	v36 =	vadd.f32 v59, v0;
	v0 =	vmul.f32 v62, v63;
	v34 =	vld [tilespmem:s28+$0x3110];
	v1 =	vadd.f32 v35, v1  }
0xa9: {  	v35 =	vld [tilespmem:s28+$0x6310]  }
0xaa: {  	s9 =	simm.s32 $0x7C0;
	v0 =	vadd.f32 v0, v1;
	v1 =	vadd.f32 v62, v36;
	v36 =	vld [tilespmem:s28+$0x3190]  }
.LBB2_5:
0xab: {  	p0 =	sne.s32 s9, $0x63C0;
	v37 =	vld [tilespmem:s28+$0x6390];
	v38 =	vsub.f32 v7, v9;
	v39 =	vsub.f32 v10, v11  }
0xac: {  	v40 =	vcvt.s32.f32 v5;
	v41 =	vsub.f32 v13, v14;
	v42 =	vsub.f32 v16, v17;
	v9 =	vld [tilespmem:s28+$0x31A0]  }
0xad: {  	v43 =	vcvt.s32.f32 v4;
	v19 =	vsub.f32 v19, v21;
	v21 =	vsub.f32 v22, v23;
	v10 =	vld [tilespmem:s28+$0x63A0]  }
0xae: {  	v44 =	vcvt.s32.f32 v8;
	v16 =	vsub.f32 v24, v25;
	v17 =	vsub.f32 v18, v26;
	v11 =	vld [tilespmem:s28+$0x63B0]  }
0xaf: {  	v18 =	vcvt.s32.f32 v15;
	v6 =	vsub.f32 v6, v27;
	v13 =	vsub.f32 v29, v31;
	v24 =	vld [tilespmem:s4+$0x30];
	s4 =	sadd.s32 $0x80, s4  }
0xb0: {  	v20 =	vcvt.s32.f32 v20;
	v8 =	vsub.f32 v34, v35;
	v5 =	vld [tilespmem:s4+$0x20];
	v14 =	vsub.f32 v36, v37  }
0xb1: {  	v12 =	vcvt.s32.f32 v12;
	v22 =	vsub.f32 v28, v30;
	v15 =	vsub.f32 v32, v33;
	s28 =	sshra.s32 s9, $0x2;
	v4 =	vld [tilespmem:s4+$0x10]  }
0xb2: {  	v8 =	vand.u32 $0x7FFFFFFF, v8;
	v7 =	vld [tilespmem:s28+$0x3180];
	v14 =	vand.u32 $0x7FFFFFFF, v14;
	v23 =	vsub.f32 v9, v10  }
0xb3: {  	v3 =	vcvt.s32.f32 v3;
	v9 =	vld [tilespmem:s28+$0x6380];
	v8 =	vadd.f32 v14, v8;
	v2 =	vsub.f32 v2, v11  }
0xb4: {  	v22 =	vand.u32 $0x7FFFFFFF, v22;
	v14 =	vand.u32 $0x7FFFFFFF, v15;
	v10 =	vld [tilespmem:s28+$0x3200];
	v15 =	vand.u32 $0x7FFFFFFF, v23  }
0xb5: {  	v11 =	vld [tilespmem:s28+$0x6400];
	v23 =	vmul.f32 v3, v8;
	v14 =	vadd.f32 v15, v14;
	v2 =	vand.u32 $0x7FFFFFFF, v2  }
0xb6: {  	v6 =	vand.u32 $0x7FFFFFFF, v6;
	v15 =	vand.u32 $0x7FFFFFFF, v13;
	v8 =	vld [tilespmem:s4+$0x0];
	v2 =	vadd.f32 v2, v22  }
0xb7: {  	v1 =	vadd.f32 v3, v1;
	v13 =	vld [tilespmem:s28+$0x3170];
	v0 =	vadd.f32 v23, v0;
	v3 =	vmul.f32 v12, v14  }
0xb8: {  	v6 =	vadd.f32 v15, v6;
	v15 =	vand.u32 $0x7FFFFFFF, v16;
	v22 =	vand.u32 $0x7FFFFFFF, v17;
	v14 =	vld [tilespmem:s28+$0x6370]  }
0xb9: {  	v1 =	vadd.f32 v12, v1;
	v2 =	vmul.f32 v20, v2;
	v16 =	vld [tilespmem:s28+$0x31F0];
	v0 =	vadd.f32 v3, v0  }
0xba: {  	v21 =	vand.u32 $0x7FFFFFFF, v21;
	v12 =	vand.u32 $0x7FFFFFFF, v19;
	v3 =	vadd.f32 v22, v15;
	v17 =	vld [tilespmem:s28+$0x63F0]  }
0xbb: {  	v1 =	vadd.f32 v20, v1;
	v15 =	vld [tilespmem:s4+$0xFFFFFFF0];
	v0 =	vadd.f32 v2, v0;
	v2 =	vmul.f32 v18, v6  }
0xbc: {  	v20 =	vand.u32 $0x7FFFFFFF, v42;
	v6 =	vadd.f32 v21, v12;
	v12 =	vand.u32 $0x7FFFFFFF, v41;
	v19 =	vld [tilespmem:s28+$0x3160]  }
0xbd: {  	v1 =	vadd.f32 v18, v1;
	v21 =	vld [tilespmem:s28+$0x6360];
	v0 =	vadd.f32 v2, v0;
	v2 =	vmul.f32 v44, v3  }
0xbe: {  	v18 =	vand.u32 $0x7FFFFFFF, v39;
	v3 =	vadd.f32 v20, v12;
	v12 =	vand.u32 $0x7FFFFFFF, v38;
	v22 =	vld [tilespmem:s28+$0x31E0]  }
0xbf: {  	v1 =	vadd.f32 v44, v1;
	v23 =	vld [tilespmem:s28+$0x63E0];
	v0 =	vadd.f32 v2, v0;
	v2 =	vmul.f32 v43, v6  }
0xc0: {  	v12 =	vadd.f32 v18, v12;
	v6 =	vcvt.s32.f32 v24;
	v20 =	vld [tilespmem:s4+$0xFFFFFFE0]  }
0xc1: {  	v1 =	vadd.f32 v43, v1;
	v24 =	vld [tilespmem:s28+$0x3150];
	v0 =	vadd.f32 v2, v0;
	v2 =	vmul.f32 v40, v3  }
0xc2: {  	v25 =	vld [tilespmem:s28+$0x6350]  }
0xc3: {  	v1 =	vadd.f32 v40, v1;
	v18 =	vld [tilespmem:s28+$0x31D0];
	v0 =	vadd.f32 v2, v0;
	v2 =	vmul.f32 v6, v12  }
0xc4: {  	v26 =	vld [tilespmem:s28+$0x63D0]  }
0xc5: {  	v1 =	vadd.f32 v6, v1;
	v12 =	vld [tilespmem:s4+$0xFFFFFFD0];
	v0 =	vadd.f32 v2, v0  }
0xc6: {  	v6 =	vld [tilespmem:s28+$0x3140]  }
0xc7: {  	v27 =	vld [tilespmem:s28+$0x6340]  }
0xc8: {  	v29 =	vld [tilespmem:s28+$0x31C0]  }
0xc9: {  	v31 =	vld [tilespmem:s28+$0x63C0]  }
0xca: {  	v3 =	vld [tilespmem:s4+$0xFFFFFFC0]  }
0xcb: {  	v28 =	vld [tilespmem:s28+$0x3130]  }
0xcc: {  	v30 =	vld [tilespmem:s28+$0x6330]  }
0xcd: {  	v2 =	vld [tilespmem:s28+$0x31B0]  }
.Ltmp1:
0xce: {  	v32 =	vld [tilespmem:s28+$0x3120];
	(pc) =	sbr.rel @p0 .LBB2_5-.Ltmp1, $4  }
0xcf: {  	v33 =	vld [tilespmem:s28+$0x6320]  }
0xd0: {  	v34 =	vld [tilespmem:s28+$0x3110]  }
0xd1: {  	v35 =	vld [tilespmem:s28+$0x6310]  }
0xd2: {  	s9 =	sadd.s32 $0x400, s9;
	v36 =	vld [tilespmem:s28+$0x3190]  }
0xd3: {  	v37 =	vld [tilespmem:s28+$0x6390];
	v7 =	vsub.f32 v7, v9;
	v63 =	vsub.f32 v10, v11  }
0xd4: {  	v38 =	vld [tilespmem:s28+$0x31A0];
	v5 =	vcvt.s32.f32 v5;
	v39 =	vsub.f32 v13, v14;
	v40 =	vsub.f32 v16, v17  }
0xd5: {  	v41 =	vld [tilespmem:s28+$0x63A0];
	v4 =	vcvt.s32.f32 v4;
	v42 =	vsub.f32 v19, v21;
	v43 =	vsub.f32 v22, v23  }
0xd6: {  	v8 =	vcvt.s32.f32 v8;
	v45 =	vsub.f32 v24, v25;
	v18 =	vsub.f32 v18, v26  }
0xd7: {  	v44 =	vld [tilespmem:s28+$0x63B0];
	v15 =	vcvt.s32.f32 v15;
	v6 =	vsub.f32 v6, v27;
	v46 =	vsub.f32 v29, v31  }
0xd8: {  	v20 =	vcvt.s32.f32 v20;
	v47 =	vsub.f32 v34, v35;
	v48 =	vsub.f32 v36, v37  }
0xd9: {  	v12 =	vcvt.s32.f32 v12;
	v50 =	vsub.f32 v28, v30;
	v49 =	vsub.f32 v32, v33  }
0xda: {  	v23 =	vand.u32 $0x7FFFFFFF, v47;
	v10 =	vsub.f32 v38, v41;
	v24 =	vand.u32 $0x7FFFFFFF, v48  }
0xdb: {  	v3 =	vcvt.s32.f32 v3;
	v53 =	vand.u32 $0x7FFFFFFF, v50;
	v51 =	vadd.f32 v24, v23  }
0xdc: {  	v52 =	vand.u32 $0x7FFFFFFF, v49;
	v2 =	vsub.f32 v2, v44;
	v10 =	vand.u32 $0x7FFFFFFF, v10  }
0xdd: {  	v6 =	vand.u32 $0x7FFFFFFF, v6;
	v10 =	vadd.f32 v10, v52;
	v14 =	vmul.f32 v3, v51  }
0xde: {  	v54 =	vand.u32 $0x7FFFFFFF, v46;
	v1 =	vadd.f32 v3, v1;
	v2 =	vand.u32 $0x7FFFFFFF, v2  }
0xdf: {  	v2 =	vadd.f32 v2, v53;
	v3 =	vmul.f32 v12, v10;
	v0 =	vadd.f32 v14, v0  }
0xe0: {  	v55 =	vand.u32 $0x7FFFFFFF, v45;
	v56 =	vand.u32 $0x7FFFFFFF, v18;
	v1 =	vadd.f32 v12, v1  }
0xe1: {  	v6 =	vadd.f32 v54, v6;
	v2 =	vmul.f32 v20, v2;
	v0 =	vadd.f32 v3, v0  }
0xe2: {  	v57 =	vand.u32 $0x7FFFFFFF, v42;
	v58 =	vand.u32 $0x7FFFFFFF, v43;
	v1 =	vadd.f32 v20, v1  }
0xe3: {  	v59 =	vld [tilespmem:s4+$0x30];
	v3 =	vadd.f32 v56, v55;
	v0 =	vadd.f32 v2, v0;
	v2 =	vmul.f32 v15, v6  }
0xe4: {  	v61 =	vand.u32 $0x7FFFFFFF, v39;
	v62 =	vand.u32 $0x7FFFFFFF, v40;
	v1 =	vadd.f32 v15, v1  }
0xe5: {  	v60 =	vadd.f32 v58, v57;
	v0 =	vadd.f32 v2, v0;
	v2 =	vmul.f32 v8, v3  }
0xe6: {  	v7 =	vand.u32 $0x7FFFFFFF, v7;
	v9 =	vand.u32 $0x7FFFFFFF, v63;
	v1 =	vadd.f32 v8, v1  }
0xe7: {  	v3 =	vadd.f32 v62, v61;
	v0 =	vadd.f32 v2, v0;
	v2 =	vmul.f32 v4, v60  }
0xe8: {  	p0 =	seq.s32 s31, $0x6;
	v7 =	vadd.f32 v9, v7;
	v63 =	vcvt.s32.f32 v59  }
.Ltmp2:
0xe9: {  	v1 =	vadd.f32 v4, v1;
	v0 =	vadd.f32 v2, v0;
	v2 =	vmul.f32 v5, v3;
	(pc) =	sbr.rel @p0 .LBB2_8-.Ltmp2, $3  }
0xea: {  	_ = 	snop  }
0xeb: {  	v0 =	vadd.f32 v2, v0;
	v2 =	vadd.f32 v5, v1;
	v1 =	vmul.f32 v63, v7;
	_ =	sdelay $0x1  }
0xec: {  	v1 =	vadd.f32 v1, v0;
	v0 =	vadd.f32 v63, v2  }
0xed: {  	s0 =	sadd.s32 $0x3, s0  }
0xee: {  	s4 =	smul.u32 $0xC80, s0;
	_ =	sdelay $0x1  }
0xef: {  	s0 =	smul.u32 $0x1900, s0;
	s4 =	sadd.s32 s6, s4  }
0xf0: {  	s4 =	sshrl.u32 s4, $0x3  }
0xf1: {  	s0 =	sadd.s32 s7, s0;
	s4 =	sadd.s32 s3, s4  }
0xf2: {  	[tilespmem:s18], [sflag:$0x2] =	stream.linear.gather [hbm4b:s4+s5], $0xC80, $0x38;
	[tilespmem:$0x7D80] =	vst v63  }
.Ltmp3:
0xf3: {  	s0 =	sshrl.u32 s0, $0x3;
	(pc) =	sbr.rel .LBB2_2-.Ltmp3, $4  }
0xf4: {  	s28 =	sadd.s32 s1, s0  }
0xf5: {  	[tilespmem:s19], [sflag:$0x4] =	stream.linear.gather [hbm4b:s28+s5], $0x1900, $0x38;
	[tilespmem:$0x7D80] =	vst v63  }
0xf6: {  	s31 =	sadd.s32 $0x1, s31;
	s0 =	sadd.s32 s2, s0  }
0xf7: {  	[tilespmem:s20], [sflag:$0x6] =	stream.linear.gather [hbm4b:s0+s5], $0x1900, $0x38;
	[tilespmem:$0x7D80] =	vst v63  }
.LBB2_8:
0xf8: {  	_ =	swait.ge [sflag:s21], $0xC80  }
0xf9: {  	[sflag:s21] =	ssyncset.done $0x0  }
0xfa: {  	[sflag:s21] =	ssyncadd.s32 $0xFFFFF380  }
0xfb: {  	_ =	swait.ge [sflag:s22], $0x1900  }
0xfc: {  	[sflag:s22] =	ssyncset.done $0x0  }
0xfd: {  	[sflag:s22] =	ssyncadd.s32 $0xFFFFE700  }
0xfe: {  	_ =	swait.ge [sflag:s23], $0x1900  }
0xff: {  	[sflag:s23] =	ssyncset.done $0x0  }
0x100: {  	s0 =	simm.s32 $0x40;
	[sflag:s23] =	ssyncadd.s32 $0xFFFFE700  }
0x101: {  	v2 =	vld [tilespmem:s0+$0x20]  }
0x102: {  	s4 =	simm.s32 $0xF0;
	v3 =	vld [tilespmem:s0+$0x10]  }
0x103: {  	v5 =	vld [tilespmem:s4+$0x1880]  }
0x104: {  	v6 =	vld [tilespmem:s4+$0x4A80]  }
0x105: {  	v7 =	vld [tilespmem:s4+$0x1900]  }
0x106: {  	v8 =	vld [tilespmem:s4+$0x4B00]  }
0x107: {  	v4 =	vld [tilespmem:s0+$0x0]  }
0x108: {  	v10 =	vld [tilespmem:s4+$0x1870]  }
0x109: {  	v12 =	vld [tilespmem:s4+$0x4A70]  }
0x10a: {  	v13 =	vld [tilespmem:s4+$0x18F0]  }
0x10b: {  	v14 =	vld [tilespmem:s4+$0x4AF0]  }
0x10c: {  	v9 =	vld [tilespmem:s0+$0xFFFFFFF0]  }
0x10d: {  	v15 =	vld [tilespmem:s4+$0x1860]  }
0x10e: {  	v16 =	vld [tilespmem:s4+$0x4A60]  }
0x10f: {  	v17 =	vld [tilespmem:s4+$0x18E0]  }
0x110: {  	v20 =	vld [tilespmem:s4+$0x4AE0]  }
0x111: {  	v11 =	vld [tilespmem:s0+$0xFFFFFFE0]  }
0x112: {  	v21 =	vld [tilespmem:s4+$0x1850]  }
0x113: {  	v23 =	vld [tilespmem:s4+$0x4A50]  }
0x114: {  	v24 =	vld [tilespmem:s4+$0x18D0]  }
0x115: {  	v26 =	vld [tilespmem:s4+$0x4AD0]  }
0x116: {  	v18 =	vld [tilespmem:s0+$0xFFFFFFD0]  }
0x117: {  	v28 =	vld [tilespmem:s4+$0x1840]  }
0x118: {  	v29 =	vld [tilespmem:s4+$0x4A40]  }
0x119: {  	v30 =	vld [tilespmem:s4+$0x18C0]  }
0x11a: {  	v32 =	vld [tilespmem:s4+$0x4AC0]  }
0x11b: {  	v19 =	vld [tilespmem:s0+$0xFFFFFFC0]  }
0x11c: {  	v25 =	vld [tilespmem:s4+$0x1830]  }
0x11d: {  	v27 =	vld [tilespmem:s4+$0x4A30]  }
0x11e: {  	v22 =	vld [tilespmem:s4+$0x18B0]  }
0x11f: {  	v31 =	vld [tilespmem:s4+$0x1820]  }
0x120: {  	v33 =	vld [tilespmem:s4+$0x4A20]  }
0x121: {  	v34 =	vld [tilespmem:s4+$0x1810]  }
0x122: {  	v35 =	vld [tilespmem:s4+$0x4A10]  }
0x123: {  	s9 =	simm.s32 $0x7C0;
	v36 =	vld [tilespmem:s4+$0x1890]  }
.LBB2_9:
0x124: {  	p0 =	sne.s32 s9, $0x63C0;
	v37 =	vld [tilespmem:s4+$0x4A90];
	v38 =	vsub.f32 v5, v6;
	v39 =	vsub.f32 v7, v8  }
0x125: {  	v40 =	vcvt.s32.f32 v2;
	v41 =	vsub.f32 v10, v12;
	v42 =	vsub.f32 v13, v14;
	v6 =	vld [tilespmem:s4+$0x18A0]  }
0x126: {  	v43 =	vcvt.s32.f32 v3;
	v15 =	vsub.f32 v15, v16;
	v16 =	vsub.f32 v17, v20;
	v7 =	vld [tilespmem:s4+$0x4AA0]  }
0x127: {  	v44 =	vcvt.s32.f32 v4;
	v13 =	vsub.f32 v21, v23;
	v14 =	vsub.f32 v24, v26;
	v8 =	vld [tilespmem:s4+$0x4AB0]  }
0x128: {  	v17 =	vcvt.s32.f32 v9;
	v9 =	vsub.f32 v28, v29;
	v10 =	vsub.f32 v30, v32;
	v21 =	vld [tilespmem:s0+$0x30];
	s0 =	sadd.s32 $0x80, s0  }
0x129: {  	v11 =	vcvt.s32.f32 v11;
	v4 =	vsub.f32 v34, v35;
	v2 =	vld [tilespmem:s0+$0x20];
	v12 =	vsub.f32 v36, v37  }
0x12a: {  	v18 =	vcvt.s32.f32 v18;
	v23 =	vsub.f32 v25, v27;
	v20 =	vsub.f32 v31, v33;
	s4 =	sshra.s32 s9, $0x2;
	v3 =	vld [tilespmem:s0+$0x10]  }
0x12b: {  	v4 =	vand.u32 $0x7FFFFFFF, v4;
	v5 =	vld [tilespmem:s4+$0x1880];
	v12 =	vand.u32 $0x7FFFFFFF, v12;
	v24 =	vsub.f32 v6, v7  }
0x12c: {  	v19 =	vcvt.s32.f32 v19;
	v6 =	vld [tilespmem:s4+$0x4A80];
	v4 =	vadd.f32 v12, v4;
	v12 =	vsub.f32 v22, v8  }
0x12d: {  	v23 =	vand.u32 $0x7FFFFFFF, v23;
	v20 =	vand.u32 $0x7FFFFFFF, v20;
	v7 =	vld [tilespmem:s4+$0x1900];
	v22 =	vand.u32 $0x7FFFFFFF, v24  }
0x12e: {  	v8 =	vld [tilespmem:s4+$0x4B00];
	v24 =	vmul.f32 v19, v4;
	v20 =	vadd.f32 v22, v20;
	v12 =	vand.u32 $0x7FFFFFFF, v12  }
0x12f: {  	v9 =	vand.u32 $0x7FFFFFFF, v9;
	v4 =	vld [tilespmem:s0+$0x0];
	v22 =	vadd.f32 v12, v23;
	v23 =	vand.u32 $0x7FFFFFFF, v10  }
0x130: {  	v0 =	vadd.f32 v19, v0;
	v10 =	vld [tilespmem:s4+$0x1870];
	v1 =	vadd.f32 v24, v1;
	v19 =	vmul.f32 v18, v20  }
0x131: {  	v20 =	vadd.f32 v23, v9;
	v9 =	vand.u32 $0x7FFFFFFF, v13;
	v23 =	vand.u32 $0x7FFFFFFF, v14;
	v12 =	vld [tilespmem:s4+$0x4A70]  }
0x132: {  	v0 =	vadd.f32 v18, v0;
	v18 =	vmul.f32 v11, v22;
	v13 =	vld [tilespmem:s4+$0x18F0];
	v1 =	vadd.f32 v19, v1  }
0x133: {  	v16 =	vand.u32 $0x7FFFFFFF, v16;
	v22 =	vand.u32 $0x7FFFFFFF, v15;
	v19 =	vadd.f32 v23, v9;
	v14 =	vld [tilespmem:s4+$0x4AF0]  }
0x134: {  	v0 =	vadd.f32 v11, v0;
	v11 =	vmul.f32 v17, v20;
	v9 =	vld [tilespmem:s0+$0xFFFFFFF0];
	v1 =	vadd.f32 v18, v1  }
0x135: {  	v20 =	vand.u32 $0x7FFFFFFF, v41;
	v18 =	vadd.f32 v16, v22;
	v22 =	vand.u32 $0x7FFFFFFF, v42;
	v15 =	vld [tilespmem:s4+$0x1860]  }
0x136: {  	v0 =	vadd.f32 v17, v0;
	v16 =	vld [tilespmem:s4+$0x4A60];
	v1 =	vadd.f32 v11, v1;
	v11 =	vmul.f32 v44, v19  }
0x137: {  	v23 =	vand.u32 $0x7FFFFFFF, v39;
	v19 =	vadd.f32 v22, v20;
	v22 =	vand.u32 $0x7FFFFFFF, v38;
	v17 =	vld [tilespmem:s4+$0x18E0]  }
0x138: {  	v0 =	vadd.f32 v44, v0;
	v18 =	vmul.f32 v43, v18;
	v20 =	vld [tilespmem:s4+$0x4AE0];
	v1 =	vadd.f32 v11, v1  }
0x139: {  	v25 =	vcvt.s32.f32 v21;
	v22 =	vadd.f32 v23, v22;
	v11 =	vld [tilespmem:s0+$0xFFFFFFE0]  }
0x13a: {  	v0 =	vadd.f32 v43, v0;
	v21 =	vld [tilespmem:s4+$0x1850];
	v1 =	vadd.f32 v18, v1;
	v18 =	vmul.f32 v40, v19  }
0x13b: {  	v23 =	vld [tilespmem:s4+$0x4A50]  }
0x13c: {  	v0 =	vadd.f32 v40, v0;
	v19 =	vmul.f32 v25, v22;
	v24 =	vld [tilespmem:s4+$0x18D0];
	v1 =	vadd.f32 v18, v1  }
0x13d: {  	v26 =	vld [tilespmem:s4+$0x4AD0]  }
0x13e: {  	v0 =	vadd.f32 v25, v0;
	v18 =	vld [tilespmem:s0+$0xFFFFFFD0];
	v1 =	vadd.f32 v19, v1  }
0x13f: {  	v28 =	vld [tilespmem:s4+$0x1840]  }
0x140: {  	v29 =	vld [tilespmem:s4+$0x4A40]  }
0x141: {  	v30 =	vld [tilespmem:s4+$0x18C0]  }
0x142: {  	v32 =	vld [tilespmem:s4+$0x4AC0]  }
0x143: {  	v19 =	vld [tilespmem:s0+$0xFFFFFFC0]  }
0x144: {  	v25 =	vld [tilespmem:s4+$0x1830]  }
0x145: {  	v27 =	vld [tilespmem:s4+$0x4A30]  }
0x146: {  	v22 =	vld [tilespmem:s4+$0x18B0]  }
.Ltmp4:
0x147: {  	v31 =	vld [tilespmem:s4+$0x1820];
	(pc) =	sbr.rel @p0 .LBB2_9-.Ltmp4, $4  }
0x148: {  	v33 =	vld [tilespmem:s4+$0x4A20]  }
0x149: {  	v34 =	vld [tilespmem:s4+$0x1810]  }
0x14a: {  	v35 =	vld [tilespmem:s4+$0x4A10]  }
0x14b: {  	s9 =	sadd.s32 $0x400, s9;
	v36 =	vld [tilespmem:s4+$0x1890]  }
0x14c: {  	v5 =	vsub.f32 v5, v6  }
0x14d: {  	v37 =	vld [tilespmem:s4+$0x4A90];
	v6 =	vsub.f32 v7, v8;
	v62 =	vsub.f32 v10, v12  }
0x14e: {  	v61 =	vld [tilespmem:s4+$0x18A0];
	v63 =	vsub.f32 v13, v14;
	v39 =	vsub.f32 v15, v16  }
0x14f: {  	v38 =	vld [tilespmem:s4+$0x4AA0];
	v40 =	vsub.f32 v17, v20;
	v3 =	vcvt.s32.f32 v3;
	v42 =	vsub.f32 v21, v23  }
0x150: {  	v43 =	vsub.f32 v24, v26;
	v4 =	vcvt.s32.f32 v4;
	v44 =	vsub.f32 v28, v29  }
0x151: {  	v41 =	vld [tilespmem:s4+$0x4AB0];
	v45 =	vsub.f32 v30, v32;
	v9 =	vcvt.s32.f32 v9;
	v25 =	vsub.f32 v25, v27  }
0x152: {  	v18 =	vcvt.s32.f32 v18;
	v46 =	vsub.f32 v34, v35;
	v47 =	vsub.f32 v36, v37  }
0x153: {  	v49 =	vcvt.s32.f32 v19;
	v11 =	vcvt.s32.f32 v11;
	v48 =	vsub.f32 v31, v33  }
0x154: {  	v23 =	vand.u32 $0x7FFFFFFF, v46;
	v7 =	vsub.f32 v61, v38;
	v24 =	vand.u32 $0x7FFFFFFF, v47  }
0x155: {  	v2 =	vcvt.s32.f32 v2;
	v52 =	vand.u32 $0x7FFFFFFF, v25;
	v50 =	vadd.f32 v24, v23  }
0x156: {  	v51 =	vand.u32 $0x7FFFFFFF, v48;
	v15 =	vsub.f32 v22, v41;
	v7 =	vand.u32 $0x7FFFFFFF, v7  }
0x157: {  	v20 =	vand.u32 $0x7FFFFFFF, v44;
	v7 =	vadd.f32 v7, v51;
	v19 =	vmul.f32 v49, v50  }
0x158: {  	v21 =	vand.u32 $0x7FFFFFFF, v45;
	v0 =	vadd.f32 v49, v0;
	v15 =	vand.u32 $0x7FFFFFFF, v15  }
0x159: {  	v15 =	vadd.f32 v15, v52;
	v7 =	vmul.f32 v18, v7;
	v1 =	vadd.f32 v19, v1  }
0x15a: {  	v16 =	vand.u32 $0x7FFFFFFF, v42;
	v17 =	vand.u32 $0x7FFFFFFF, v43;
	v0 =	vadd.f32 v18, v0  }
0x15b: {  	v53 =	vadd.f32 v21, v20;
	v54 =	vmul.f32 v11, v15;
	v1 =	vadd.f32 v7, v1  }
0x15c: {  	v13 =	vand.u32 $0x7FFFFFFF, v39;
	v14 =	vand.u32 $0x7FFFFFFF, v40;
	v0 =	vadd.f32 v11, v0  }
0x15d: {  	v55 =	vadd.f32 v17, v16;
	v57 =	vmul.f32 v9, v53;
	v1 =	vadd.f32 v54, v1  }
0x15e: {  	v56 =	vld [tilespmem:s0+$0x30];
	v8 =	vand.u32 $0x7FFFFFFF, v62;
	v10 =	vand.u32 $0x7FFFFFFF, v63;
	v0 =	vadd.f32 v9, v0  }
0x15f: {  	v58 =	vadd.f32 v14, v13;
	v59 =	vmul.f32 v4, v55;
	v1 =	vadd.f32 v57, v1  }
0x160: {  	v5 =	vand.u32 $0x7FFFFFFF, v5;
	v6 =	vand.u32 $0x7FFFFFFF, v6;
	v0 =	vadd.f32 v4, v0  }
0x161: {  	v8 =	vadd.f32 v10, v8;
	v60 =	vmul.f32 v3, v58;
	v1 =	vadd.f32 v59, v1  }
0x162: {  	v5 =	vadd.f32 v6, v5;
	v0 =	vadd.f32 v3, v0  }
0x163: {  	v61 =	vcvt.s32.f32 v56;
	v62 =	vmul.f32 v2, v8;
	v1 =	vadd.f32 v60, v1  }
0x164: {  	v0 =	vadd.f32 v2, v0  }
0x165: {  	v63 =	vmul.f32 v61, v5;
	v1 =	vadd.f32 v62, v1  }
0x166: {  	v0 =	vadd.f32 v61, v0  }
0x167: {  	s30 =	sadd.s32 $0x1, s30;
	v1 =	vadd.f32 v63, v1  }
0x168: {  	p0 =	sne.s32 s30, s15;
	[tilespmem:$0x7D10] =	vst v0  }
.Ltmp5:
0x169: {  	s31 =	simm.s32 $0x7D00;
	[tilespmem:$0x7D00] =	vst v1;
	(pc) =	sbr.rel @p0 .LBB2_1-.Ltmp5, $4  }
0x16a: {  	[hbm4b:s14+s5] =	stream.linear.scatter [tilespmem:s31], [sflag:$0x7], $0x80, $0x38;
	[tilespmem:$0x7D80] =	vst v63  }
0x16b: {  	_ =	swait.ge [sflag:s29], $0x80  }
0x16c: {  	[sflag:s29] =	ssyncset.done $0x0  }
0x16d: {  	[sflag:s29] =	ssyncadd.s32 $0xFFFFFF80  }
0x16e: {  	_ =	sfence.sel $0x180000  }
0x16f: {  	[bflag:$0x0] =	sbarrier.arrive $0xFFFF  }
0x170: {  	_ =	strace $0x90000047  }
0x171: {  	s0 =	stileid.u32;
	[bflag:$0x2] =	sbarrier.arrive $0xFFFF  }
0x172: {  	p0 =	sne.s32 s0, $0x0;
	s0 =	rddreg [dreg:$0x4]  }
0x173: {  	s0 =	sadd.s32 @!p0 $0x100000, s0  }
0x174: {  	[sflag:s0] =	ssyncadd.tile.s32 @!p0 $0x1;
	_ =	shalt  }
.Lfunc_end2:
_tile_overlayer_lowered:
.L_overlay_start_2:
0x175: {  	(tag) =	ssettag $0x2  }
0x176: {  	s0 =	rddreg [dreg:$0x0];
	s2 =	stileid.u32  }
0x177: {  	s1 =	rddreg [dreg:$0x1];
	p0 =	sne.s32 s2, $0x0  }
0x178: {  	s3 =	rddreg [dreg:$0x2];
	[bflag:$0x3] =	sbarrier.arrive $0xFFFF;
	s2 =	simm.s32 @!p0 $0x1C07  }
0x179: {  	[timem:s3], [sflag:s2] =	dma.local @!p0 [hbm:s0], s1  }
0x17a: {  	s0 =	simm.s32 @!p0 $0x7  }
0x17b: {  	_ =	swait.ge @!p0 [sflag:s0], s1  }
0x17c: {  	s1 =	ssub.s32 @!p0 $0x0, s1;
	[sflag:s0] =	ssyncset.done @!p0 $0x0  }
0x17d: {  	[sflag:s0] =	ssyncadd.s32 @!p0 s1  }
0x17e: {  	[bflag:$0x3] =	sbarrier.arrive $0xFFFF  }
0x17f: {  	_ =	shalt  }

</sc_bundles>
